<compile_context>
chip_gen: v7x
topology: tpu7x:2x2x1
jax: 0.10.2.dev20260603
libtpu: 0.0.44.dev20260713+nightly
codegen_flags: <defaults>
</compile_context>

<pallas_src>
import functools

import jax
import jax.numpy as jnp
from jax import lax
from jax.experimental import pallas as pl
from jax.experimental.pallas import tpu as pltpu
from jax.experimental.pallas import tpu_sc as plsc

NC = 2
NS = 16
L = 16
NW = NC * NS
K = 128


def _sc_mesh():
    return plsc.VectorSubcoreMesh(
        core_axis_name="c", subcore_axis_name="s", num_cores=NC,
        num_subcores=NS)


def _make_deg_kernel(cpt, n_pad):
    @functools.partial(
        pl.kernel,
        out_type=jax.ShapeDtypeStruct((2 * NW, n_pad), jnp.float32),
        mesh=_sc_mesh(),
        compiler_params=pltpu.CompilerParams(needs_layout_passes=False),
        scratch_types=[
            pltpu.VMEM((cpt, K), jnp.int32),
            pltpu.VMEM((cpt, K), jnp.int32),
            pltpu.VMEM((n_pad,), jnp.float32),
            pltpu.VMEM((n_pad,), jnp.float32),
        ],
    )
    def deg_kernel(src_hbm, dst_hbm, out_hbm, src_v, dst_v, hs_v, hd_v):
        cid = lax.axis_index("c")
        sid = lax.axis_index("s")
        wid = sid * NC + cid
        pltpu.sync_copy(src_hbm.at[wid], src_v)
        pltpu.sync_copy(dst_hbm.at[wid], dst_v)
        zero = jnp.zeros((L,), jnp.float32)

        @pl.loop(0, n_pad // L)
        def _(i):
            hs_v[pl.ds(i * L, L)] = zero
            hd_v[pl.ds(i * L, L)] = zero

        ones = jnp.ones((L,), jnp.float32)

        @pl.loop(0, cpt)
        def _(j):
            @pl.loop(0, K // L)
            def _(k):
                si = src_v[j, pl.ds(k * L, L)]
                di = dst_v[j, pl.ds(k * L, L)]
                plsc.addupdate_scatter(hs_v, [si], ones)
                plsc.addupdate_scatter(hd_v, [di], ones)

        pltpu.sync_copy(hs_v, out_hbm.at[2 * wid])
        pltpu.sync_copy(hd_v, out_hbm.at[2 * wid + 1])

    return deg_kernel


def _make_mp_kernel(cpt, n_pad, f):
    rows_per_tile = n_pad // NS
    nzc = rows_per_tile // K

    @functools.partial(
        pl.kernel,
        out_type=jax.ShapeDtypeStruct((NC * n_pad, f), jnp.float32),
        mesh=_sc_mesh(),
        compiler_params=pltpu.CompilerParams(needs_layout_passes=False),
        scratch_types=[
            pltpu.VMEM((cpt, K), jnp.int32),
            pltpu.VMEM((cpt, K), jnp.int32),
            pltpu.VMEM((K, f), jnp.float32),
            pltpu.VMEM_SHARED((n_pad, f), jnp.float32),
            pltpu.SemaphoreType.DMA,
        ],
    )
    def mp_kernel(hs_hbm, src_hbm, dst_hbm, out_hbm, src_v, dst_v, buf,
                  agg_sh, sem):
        cid = lax.axis_index("c")
        sid = lax.axis_index("s")
        wid = sid * NC + cid
        nb = cpt
        pltpu.sync_copy(src_hbm.at[wid], src_v)
        pltpu.sync_copy(dst_hbm.at[wid], dst_v)

        zero = jnp.zeros((L,), jnp.float32)

        @pl.loop(0, K)
        def _(r):
            @pl.loop(0, f // L)
            def _(c2):
                buf[r, pl.ds(c2 * L, L)] = zero

        @pl.loop(0, nzc)
        def _(i):
            pltpu.sync_copy(
                buf, agg_sh.at[pl.ds(sid * rows_per_tile + i * K, K)])

        plsc.subcore_barrier()

        @pl.loop(0, nb)
        def _(j):
            pltpu.async_copy(hs_hbm.at[src_v.at[j]], buf, sem).wait()
            pltpu.sync_copy(buf, agg_sh.at[dst_v.at[j]], add=True)

        plsc.subcore_barrier()

        @pl.loop(0, nzc)
        def _(i):
            base = sid * rows_per_tile + i * K
            pltpu.sync_copy(agg_sh.at[pl.ds(base, K)],
                            out_hbm.at[pl.ds(cid * n_pad + base, K)])

    return mp_kernel


def _norm_kernel(deg_part):
    def body(d_ref, o_ref):
        deg = jnp.sum(d_ref[...], axis=0)
        o_ref[...] = jnp.where(
            deg > 0.0, lax.rsqrt(jnp.maximum(deg, 1.0)), 0.0)

    return pl.pallas_call(
        body,
        out_shape=jax.ShapeDtypeStruct(deg_part.shape[1:], jnp.float32),
    )(deg_part)


def _mm_scale(x, w, scale, n_pad, rb):
    f = x.shape[1]

    def body(x_ref, w_ref, s_ref, o_ref):
        o_ref[...] = jnp.dot(x_ref[...], w_ref[...],
                             precision=lax.Precision.HIGHEST,
                             preferred_element_type=jnp.float32) * s_ref[...]

    return pl.pallas_call(
        body,
        grid=(n_pad // rb,),
        in_specs=[
            pl.BlockSpec((rb, f), lambda i: (i, 0)),
            pl.BlockSpec((f, f), lambda i: (0, 0)),
            pl.BlockSpec((rb, 1), lambda i: (i, 0)),
        ],
        out_specs=pl.BlockSpec((rb, f), lambda i: (i, 0)),
        out_shape=jax.ShapeDtypeStruct((n_pad, f), jnp.float32),
    )(x, w, scale)


def _layer2_input(agg, norm_dst, b, w, norm_src, rb):
    _, n_pad, f = agg.shape

    def body(a_ref, nd_ref, b_ref, w_ref, ns_ref, o_ref):
        h = jnp.maximum(
            (a_ref[0] + a_ref[1]) * nd_ref[...] + b_ref[...], 0.0)
        o_ref[...] = jnp.dot(
            h, w_ref[...], precision=lax.Precision.HIGHEST,
            preferred_element_type=jnp.float32) * ns_ref[...]

    return pl.pallas_call(
        body,
        grid=(n_pad // rb,),
        in_specs=[
            pl.BlockSpec((NC, rb, f), lambda i: (0, i, 0)),
            pl.BlockSpec((rb, 1), lambda i: (i, 0)),
            pl.BlockSpec((1, f), lambda i: (0, 0)),
            pl.BlockSpec((f, f), lambda i: (0, 0)),
            pl.BlockSpec((rb, 1), lambda i: (i, 0)),
        ],
        out_specs=pl.BlockSpec((rb, f), lambda i: (i, 0)),
        out_shape=jax.ShapeDtypeStruct((n_pad, f), jnp.float32),
    )(agg, norm_dst, b, w, norm_src)


def _head(agg, norm_dst, b, wd, bd, n_nodes, rb):
    _, n_pad, f = agg.shape
    grid = n_pad // rb

    def body(a_ref, nd_ref, b_ref, wd_ref, bd_ref, o_ref, acc_ref):
        i = pl.program_id(0)
        h = jnp.maximum(
            (a_ref[0] + a_ref[1]) * nd_ref[...] + b_ref[...], 0.0)
        rid = lax.broadcasted_iota(jnp.int32, (rb, f), 0) + i * rb
        h = jnp.where(rid < n_nodes, h, 0.0)
        p = jnp.sum(h, axis=0, keepdims=True)

        @pl.when(i == 0)
        def _():
            acc_ref[...] = p

        @pl.when(i > 0)
        def _():
            acc_ref[...] = acc_ref[...] + p

        @pl.when(i == grid - 1)
        def _():
            g = acc_ref[...] * (1.0 / n_nodes)
            o_ref[...] = jnp.dot(
                g, wd_ref[...], precision=lax.Precision.HIGHEST,
                preferred_element_type=jnp.float32
            ) + bd_ref[...]

    return pl.pallas_call(
        body,
        grid=(grid,),
        in_specs=[
            pl.BlockSpec((NC, rb, f), lambda i: (0, i, 0)),
            pl.BlockSpec((rb, 1), lambda i: (i, 0)),
            pl.BlockSpec((1, f), lambda i: (0, 0)),
            pl.BlockSpec((f, 1), lambda i: (0, 0)),
            pl.BlockSpec((1, 1), lambda i: (0, 0)),
        ],
        out_specs=pl.BlockSpec((1, 1), lambda i: (0, 0)),
        out_shape=jax.ShapeDtypeStruct((1, 1), jnp.float32),
        scratch_shapes=[pltpu.VMEM((1, f), jnp.float32)],
    )(agg, norm_dst, b, wd, bd)


def kernel(in_feat, edge_index, W1, b1, W2, b2, Wd, bd):
    n_nodes, f = in_feat.shape
    n_edges = edge_index.shape[1]

    n_pad = ((n_nodes + 1 + NS * K - 1) // (NS * K)) * (NS * K)
    rb = 1024 if n_pad % 1024 == 0 else NS * K

    def _pad_dst(n):
        return n_nodes + (jnp.arange(n, dtype=jnp.int32)
                          % (n_pad - n_nodes))

    cpt = (n_edges + NW * K - 1) // (NW * K)
    e_pad = NW * K * cpt
    pad_idx = jnp.full((e_pad - n_edges,), n_nodes, jnp.int32)
    src = jnp.concatenate([edge_index[0], pad_idx]).reshape(NW, cpt, K)
    dst = jnp.concatenate(
        [edge_index[1], _pad_dst(e_pad - n_edges)]).reshape(NW, cpt, K)


    deg_part = _make_deg_kernel(cpt, n_pad)(src, dst)
    norms = _norm_kernel(deg_part.reshape(NW, 2, n_pad))
    norm_src = norms[0].reshape(n_pad, 1)
    norm_dst = norms[1].reshape(n_pad, 1)

    mp = _make_mp_kernel(cpt, n_pad, f)

    x_pad = jnp.zeros((n_pad, f), jnp.float32).at[:n_nodes].set(in_feat)
    hs1 = _mm_scale(x_pad, W1, norm_src, n_pad, rb)
    agg1 = mp(hs1, src, dst).reshape(NC, n_pad, f)
    hs2 = _layer2_input(agg1, norm_dst, b1.reshape(1, f), W2, norm_src, rb)
    agg2 = mp(hs2, src, dst).reshape(NC, n_pad, f)
    out = _head(agg2, norm_dst, b2.reshape(1, f), Wd, bd.reshape(1, 1),
                n_nodes, rb)
    return out.reshape(())

# --- scband reference (transcript-rebuilt; emitter-appended) ---
"""Pipeline reference for scband-gcn-24068996727451 (READ-ONLY COPY).

The authoritative reference and input builder live on the scoring server;
editing this copy changes nothing except your own understanding.
"""

import jax, jax.numpy as jnp
import numpy as np

N_NODES = 10000
N_EDGES = 320000
IN_FEATS = 128
H_FEATS = 128


def setup_inputs(seed: int = 0) -> dict:
    key = jax.random.key(seed)
    ks = jax.random.split(key, 8)
    x = jax.random.normal(ks[0], (N_NODES, IN_FEATS), dtype=jnp.float32)
    edge_index = jax.random.randint(ks[1], (2, N_EDGES), 0, N_NODES, dtype=jnp.int64 if jax.config.jax_enable_x64 else jnp.int32).astype(jnp.int32)
    W1 = jax.random.normal(ks[2], (IN_FEATS, H_FEATS), dtype=jnp.float32) * (1.0 / np.sqrt(IN_FEATS))
    b1 = jnp.zeros((H_FEATS,), dtype=jnp.float32)
    W2 = jax.random.normal(ks[3], (H_FEATS, H_FEATS), dtype=jnp.float32) * (1.0 / np.sqrt(H_FEATS))
    b2 = jnp.zeros((H_FEATS,), dtype=jnp.float32)
    Wd = jax.random.normal(ks[4], (H_FEATS, 1), dtype=jnp.float32) * (1.0 / np.sqrt(H_FEATS))
    bd = jnp.zeros((1,), dtype=jnp.float32)
    return {"in_feat": x, "edge_index": edge_index, "W1": W1, "b1": b1, "W2": W2, "b2": b2, "Wd": Wd, "bd": bd}


def _graph_conv(x, src, dst, W, b, n_nodes):
    # DGL GraphConv with norm='both': symmetric normalization D^-1/2 A D^-1/2 X W + b
    ones = jnp.ones((src.shape[0],), dtype=jnp.float32)
    deg_out = jax.ops.segment_sum(ones, src, num_segments=n_nodes)
    deg_in = jax.ops.segment_sum(ones, dst, num_segments=n_nodes)
    norm_src = jnp.where(deg_out > 0, jax.lax.rsqrt(jnp.maximum(deg_out, 1.0)), 0.0)
    norm_dst = jnp.where(deg_in > 0, jax.lax.rsqrt(jnp.maximum(deg_in, 1.0)), 0.0)
    h = x @ W
    h = h * norm_src[:, None]
    msgs = jnp.take(h, src, axis=0)
    agg = jax.ops.segment_sum(msgs, dst, num_segments=n_nodes)
    return agg * norm_dst[:, None] + b


def reference(in_feat, edge_index, W1, b1, W2, b2, Wd, bd):
    src = edge_index[0]
    dst = edge_index[1]
    n_nodes = in_feat.shape[0]
    h = jax.nn.relu(_graph_conv(in_feat, src, dst, W1, b1, n_nodes))
    h = jax.nn.relu(_graph_conv(h, src, dst, W2, b2, n_nodes))
    # dgl.mean_nodes over a single graph: mean over all nodes
    g_feat = jnp.mean(h, axis=0)
    out = g_feat @ Wd + bd
    return jnp.squeeze(out)

if __name__ == "__main__":
    import jax
    _d = setup_inputs()
    print(jax.jit(kernel)(*tuple(_d.values())))

</pallas_src>

<mosaic_0001>
#map = affine_map<(d0, d1) -> (0, 0)>
#map1 = affine_map<(d0, d1) -> (0, 0, 0)>
module attributes {stable_mosaic.version = 14 : i64} {
  func.func @mp_kernel(%arg0: i32, %arg1: i32, %arg2: memref<10240x128xf32, #tpu.memory_space<hbm>>, %arg3: memref<32x79x128xi32, #tpu.memory_space<hbm>>, %arg4: memref<32x79x128xi32, #tpu.memory_space<hbm>>, %arg5: memref<20480x128xf32, #tpu.memory_space<hbm>>, %arg6: memref<79x128xi32, #tpu.memory_space<vmem>>, %arg7: memref<79x128xi32, #tpu.memory_space<vmem>>, %arg8: memref<128x128xf32, #tpu.memory_space<vmem>>, %arg9: memref<10240x128xf32, #tpu.memory_space<vmem_shared>>, %arg10: memref<!tpu.dma_semaphore, #tpu.memory_space<semaphore_mem>>) attributes {dimension_semantics = [#tpu.dimension_semantics<core_parallel>, #tpu.dimension_semantics<subcore_parallel>], iteration_bounds = array<i64: 2, 16>, scalar_prefetch = 0 : i64, scratch_operands = 5 : i64, tpu.core_type = #tpu.core_type<sc_vector_subcore>, window_params = [{transform_indices = #map}, {transform_indices = #map1}, {transform_indices = #map1}, {transform_indices = #map}]} {
    %mul3A = arith.constant 2 : i32
    %mul3A_0 = arith.muli %arg1, %mul3A : i32
    %add3A = arith.addi %mul3A_0, %arg0 : i32
    "tpu.region"() ({
      %run_scoped3A = tpu.sem_alloc : memref<!tpu.dma_semaphore, #tpu.memory_space<semaphore_mem>>
      %dma_start3A = arith.constant 0 : i32
      %dma_start3A_22 = arith.constant 0 : i32
      %dma_start3A_23 = tpu.memref_slice %arg3[%add3A, %dma_start3A, %dma_start3A_22] : memref<32x79x128xi32, #tpu.memory_space<hbm>> -> memref<1x79x128xi32, #tpu.memory_space<hbm>>
      %dma_start3A_24 = tpu.memref_squeeze %dma_start3A_23 : memref<1x79x128xi32, #tpu.memory_space<hbm>> -> memref<79x128xi32, #tpu.memory_space<hbm>>
      %dma_start3A_25 = arith.constant 0 : i32
      %dma_start3A_26 = arith.constant 0 : i32
      %dma_start3A_27 = tpu.memref_slice %arg3[%add3A, %dma_start3A_25, %dma_start3A_26] : memref<32x79x128xi32, #tpu.memory_space<hbm>> -> memref<1x79x128xi32, #tpu.memory_space<hbm>>
      %dma_start3A_28 = tpu.memref_squeeze %dma_start3A_27 : memref<1x79x128xi32, #tpu.memory_space<hbm>> -> memref<79x128xi32, #tpu.memory_space<hbm>>
      tpu.enqueue_dma source(%dma_start3A_28 : memref<79x128xi32, #tpu.memory_space<hbm>>) target(%arg6 : memref<79x128xi32, #tpu.memory_space<vmem>>) target_semaphore(%run_scoped3A : memref<!tpu.dma_semaphore, #tpu.memory_space<semaphore_mem>>)
      %dma_wait3A = arith.constant 0 : i32
      %dma_wait3A_29 = arith.constant 0 : i32
      %dma_wait3A_30 = tpu.memref_slice %arg3[%add3A, %dma_wait3A, %dma_wait3A_29] : memref<32x79x128xi32, #tpu.memory_space<hbm>> -> memref<1x79x128xi32, #tpu.memory_space<hbm>>
      %dma_wait3A_31 = tpu.memref_squeeze %dma_wait3A_30 : memref<1x79x128xi32, #tpu.memory_space<hbm>> -> memref<79x128xi32, #tpu.memory_space<hbm>>
      %dma_wait3A_32 = arith.constant 0 : i32
      %dma_wait3A_33 = arith.constant 0 : i32
      %dma_wait3A_34 = tpu.memref_slice %arg3[%add3A, %dma_wait3A_32, %dma_wait3A_33] : memref<32x79x128xi32, #tpu.memory_space<hbm>> -> memref<1x79x128xi32, #tpu.memory_space<hbm>>
      %dma_wait3A_35 = tpu.memref_squeeze %dma_wait3A_34 : memref<1x79x128xi32, #tpu.memory_space<hbm>> -> memref<79x128xi32, #tpu.memory_space<hbm>>
      tpu.wait_dma2 semaphore(%run_scoped3A : memref<!tpu.dma_semaphore, #tpu.memory_space<semaphore_mem>>) src(%dma_wait3A_35 : memref<79x128xi32, #tpu.memory_space<hbm>>) dst(%arg6 : memref<79x128xi32, #tpu.memory_space<vmem>>)
      tpu.yield
    }) : () -> ()
    "tpu.region"() ({
      %run_scoped3A = tpu.sem_alloc : memref<!tpu.dma_semaphore, #tpu.memory_space<semaphore_mem>>
      %dma_start3A = arith.constant 0 : i32
      %dma_start3A_22 = arith.constant 0 : i32
      %dma_start3A_23 = tpu.memref_slice %arg4[%add3A, %dma_start3A, %dma_start3A_22] : memref<32x79x128xi32, #tpu.memory_space<hbm>> -> memref<1x79x128xi32, #tpu.memory_space<hbm>>
      %dma_start3A_24 = tpu.memref_squeeze %dma_start3A_23 : memref<1x79x128xi32, #tpu.memory_space<hbm>> -> memref<79x128xi32, #tpu.memory_space<hbm>>
      %dma_start3A_25 = arith.constant 0 : i32
      %dma_start3A_26 = arith.constant 0 : i32
      %dma_start3A_27 = tpu.memref_slice %arg4[%add3A, %dma_start3A_25, %dma_start3A_26] : memref<32x79x128xi32, #tpu.memory_space<hbm>> -> memref<1x79x128xi32, #tpu.memory_space<hbm>>
      %dma_start3A_28 = tpu.memref_squeeze %dma_start3A_27 : memref<1x79x128xi32, #tpu.memory_space<hbm>> -> memref<79x128xi32, #tpu.memory_space<hbm>>
      tpu.enqueue_dma source(%dma_start3A_28 : memref<79x128xi32, #tpu.memory_space<hbm>>) target(%arg7 : memref<79x128xi32, #tpu.memory_space<vmem>>) target_semaphore(%run_scoped3A : memref<!tpu.dma_semaphore, #tpu.memory_space<semaphore_mem>>)
      %dma_wait3A = arith.constant 0 : i32
      %dma_wait3A_29 = arith.constant 0 : i32
      %dma_wait3A_30 = tpu.memref_slice %arg4[%add3A, %dma_wait3A, %dma_wait3A_29] : memref<32x79x128xi32, #tpu.memory_space<hbm>> -> memref<1x79x128xi32, #tpu.memory_space<hbm>>
      %dma_wait3A_31 = tpu.memref_squeeze %dma_wait3A_30 : memref<1x79x128xi32, #tpu.memory_space<hbm>> -> memref<79x128xi32, #tpu.memory_space<hbm>>
      %dma_wait3A_32 = arith.constant 0 : i32
      %dma_wait3A_33 = arith.constant 0 : i32
      %dma_wait3A_34 = tpu.memref_slice %arg4[%add3A, %dma_wait3A_32, %dma_wait3A_33] : memref<32x79x128xi32, #tpu.memory_space<hbm>> -> memref<1x79x128xi32, #tpu.memory_space<hbm>>
      %dma_wait3A_35 = tpu.memref_squeeze %dma_wait3A_34 : memref<1x79x128xi32, #tpu.memory_space<hbm>> -> memref<79x128xi32, #tpu.memory_space<hbm>>
      tpu.wait_dma2 semaphore(%run_scoped3A : memref<!tpu.dma_semaphore, #tpu.memory_space<semaphore_mem>>) src(%dma_wait3A_35 : memref<79x128xi32, #tpu.memory_space<hbm>>) dst(%arg7 : memref<79x128xi32, #tpu.memory_space<vmem>>)
      tpu.yield
    }) : () -> ()
    %broadcast_in_dim3A = arith.constant 0.000000e+00 : f32
    %broadcast_in_dim3A_1 = vector.broadcast %broadcast_in_dim3A : f32 to vector<16xf32>
    %scan3A = arith.constant 0 : i32
    %scan3A_2 = arith.constant 128 : i32
    %scan3A_3 = arith.addi %scan3A, %scan3A_2 : i32
    %scan3A_4 = arith.constant 1 : i32
    scf.for %scan3A_22 = %scan3A to %scan3A_3 step %scan3A_4  : i32 {
      %mul3A_23 = arith.constant 1 : i32
      %mul3A_24 = arith.muli %scan3A_22, %mul3A_23 : i32
      %add3A_25 = arith.constant 0 : i32
      %add3A_26 = arith.addi %add3A_25, %mul3A_24 : i32
      %scan3A_27 = arith.constant 0 : i32
      %scan3A_28 = arith.constant 8 : i32
      %scan3A_29 = arith.addi %scan3A_27, %scan3A_28 : i32
      %scan3A_30 = arith.constant 1 : i32
      scf.for %scan3A_32 = %scan3A_27 to %scan3A_29 step %scan3A_30  : i32 {
        %mul3A_33 = arith.constant 1 : i32
        %mul3A_34 = arith.muli %scan3A_32, %mul3A_33 : i32
        %add3A_35 = arith.constant 0 : i32
        %add3A_36 = arith.addi %add3A_35, %mul3A_34 : i32
        %mul3A_37 = arith.constant 16 : i32
        %mul3A_38 = arith.muli %add3A_36, %mul3A_37 : i32
        %swap3A = arith.index_cast %add3A_26 : i32 to index
        %swap3A_39 = arith.index_cast %mul3A_38 : i32 to index
        %swap3A_40 = tpu.vector_load %arg8[%swap3A, %swap3A_39] {strides = array<i32>} : memref<128x128xf32, #tpu.memory_space<vmem>>, vector<16xf32>,
        tpu.vector_store %arg8[%swap3A, %swap3A_39], %broadcast_in_dim3A_1 {strides = array<i32>} : memref<128x128xf32, #tpu.memory_space<vmem>>, vector<16xf32>,
      }
      %scan3A_31 = arith.constant 8 : i32
    }
    %scan3A_5 = arith.constant 128 : i32
    %scan3A_6 = arith.constant 0 : i32
    %scan3A_7 = arith.constant 5 : i32
    %scan3A_8 = arith.addi %scan3A_6, %scan3A_7 : i32
    %scan3A_9 = arith.constant 1 : i32
    scf.for %scan3A_22 = %scan3A_6 to %scan3A_8 step %scan3A_9  : i32 {
      %mul3A_23 = arith.constant 1 : i32
      %mul3A_24 = arith.muli %scan3A_22, %mul3A_23 : i32
      %add3A_25 = arith.constant 0 : i32
      %add3A_26 = arith.addi %add3A_25, %mul3A_24 : i32
      %mul3A_27 = arith.constant 640 : i32
      %mul3A_28 = arith.muli %arg1, %mul3A_27 : i32
      %mul3A_29 = arith.constant 128 : i32
      %mul3A_30 = arith.muli %add3A_26, %mul3A_29 : i32
      %add3A_31 = arith.addi %mul3A_28, %mul3A_30 : i32
      "tpu.region"() ({
        %run_scoped3A = tpu.sem_alloc : memref<!tpu.dma_semaphore, #tpu.memory_space<semaphore_mem>>
        %dma_start3A = arith.constant 0 : i32
        %dma_start3A_32 = tpu.memref_slice %arg9[%add3A_31, %dma_start3A] : memref<10240x128xf32, #tpu.memory_space<vmem_shared>> -> memref<128x128xf32, #tpu.memory_space<vmem_shared>>
        %dma_start3A_33 = arith.constant 0 : i32
        %dma_start3A_34 = tpu.memref_slice %arg9[%add3A_31, %dma_start3A_33] : memref<10240x128xf32, #tpu.memory_space<vmem_shared>> -> memref<128x128xf32, #tpu.memory_space<vmem_shared>>
        tpu.enqueue_dma source(%arg8 : memref<128x128xf32, #tpu.memory_space<vmem>>) target(%dma_start3A_34 : memref<128x128xf32, #tpu.memory_space<vmem_shared>>) target_semaphore(%run_scoped3A : memref<!tpu.dma_semaphore, #tpu.memory_space<semaphore_mem>>)
        %dma_wait3A = arith.constant 0 : i32
        %dma_wait3A_35 = tpu.memref_slice %arg9[%add3A_31, %dma_wait3A] : memref<10240x128xf32, #tpu.memory_space<vmem_shared>> -> memref<128x128xf32, #tpu.memory_space<vmem_shared>>
        %dma_wait3A_36 = arith.constant 0 : i32
        %dma_wait3A_37 = tpu.memref_slice %arg9[%add3A_31, %dma_wait3A_36] : memref<10240x128xf32, #tpu.memory_space<vmem_shared>> -> memref<128x128xf32, #tpu.memory_space<vmem_shared>>
        tpu.wait_dma2 semaphore(%run_scoped3A : memref<!tpu.dma_semaphore, #tpu.memory_space<semaphore_mem>>) src(%arg8 : memref<128x128xf32, #tpu.memory_space<vmem>>) dst(%dma_wait3A_37 : memref<128x128xf32, #tpu.memory_space<vmem_shared>>)
        tpu.yield
      }) : () -> ()
    }
    %scan3A_10 = arith.constant 5 : i32
    %barrier3A = arith.constant 0 : index
    tpu.barrier barrier_id(%barrier3A)
    %scan3A_11 = arith.constant 0 : i32
    %scan3A_12 = arith.constant 79 : i32
    %scan3A_13 = arith.addi %scan3A_11, %scan3A_12 : i32
    %scan3A_14 = arith.constant 1 : i32
    scf.for %scan3A_22 = %scan3A_11 to %scan3A_13 step %scan3A_14  : i32 {
      %mul3A_23 = arith.constant 1 : i32
      %mul3A_24 = arith.muli %scan3A_22, %mul3A_23 : i32
      %add3A_25 = arith.constant 0 : i32
      %add3A_26 = arith.addi %add3A_25, %mul3A_24 : i32
      %dma_start3A = arith.constant 0 : i32
      %dma_start3A_27 = tpu.memref_slice %arg6[%add3A_26, %dma_start3A] : memref<79x128xi32, #tpu.memory_space<vmem>> -> memref<1x128xi32, #tpu.memory_space<vmem>>
      %dma_start3A_28 = tpu.memref_squeeze %dma_start3A_27 : memref<1x128xi32, #tpu.memory_space<vmem>> -> memref<128xi32, #tpu.memory_space<vmem>>
      %dma_start3A_29 = arith.constant 0 : i32
      %dma_start3A_30 = arith.constant 0 : i32
      %dma_start3A_31 = tpu.memref_slice %arg2[%dma_start3A_29, %dma_start3A_30] : memref<10240x128xf32, #tpu.memory_space<hbm>> -> memref<10240x128xf32, #tpu.memory_space<hbm>>
      tpu.enqueue_indirect_dma source(%dma_start3A_31 : memref<10240x128xf32, #tpu.memory_space<hbm>>) target(%arg8 : memref<128x128xf32, #tpu.memory_space<vmem>>) offsets(%dma_start3A_28 : memref<128xi32, #tpu.memory_space<vmem>>) semaphore(%arg10 : memref<!tpu.dma_semaphore, #tpu.memory_space<semaphore_mem>>)
      %dma_wait3A = arith.constant 0 : i32
      %dma_wait3A_32 = tpu.memref_slice %arg6[%add3A_26, %dma_wait3A] : memref<79x128xi32, #tpu.memory_space<vmem>> -> memref<1x128xi32, #tpu.memory_space<vmem>>
      %dma_wait3A_33 = tpu.memref_squeeze %dma_wait3A_32 : memref<1x128xi32, #tpu.memory_space<vmem>> -> memref<128xi32, #tpu.memory_space<vmem>>
      %dma_wait3A_34 = arith.constant 0 : i32
      %dma_wait3A_35 = arith.constant 0 : i32
      %dma_wait3A_36 = tpu.memref_slice %arg2[%dma_wait3A_34, %dma_wait3A_35] : memref<10240x128xf32, #tpu.memory_space<hbm>> -> memref<10240x128xf32, #tpu.memory_space<hbm>>
      tpu.wait_indirect_dma semaphore(%arg10 : memref<!tpu.dma_semaphore, #tpu.memory_space<semaphore_mem>>) src(%dma_wait3A_36 : memref<10240x128xf32, #tpu.memory_space<hbm>>) dst(%arg8 : memref<128x128xf32, #tpu.memory_space<vmem>>)
      "tpu.region"() ({
        %run_scoped3A = tpu.sem_alloc : memref<!tpu.dma_semaphore, #tpu.memory_space<semaphore_mem>>
        %dma_start3A_37 = arith.constant 0 : i32
        %dma_start3A_38 = tpu.memref_slice %arg7[%add3A_26, %dma_start3A_37] : memref<79x128xi32, #tpu.memory_space<vmem>> -> memref<1x128xi32, #tpu.memory_space<vmem>>
        %dma_start3A_39 = tpu.memref_squeeze %dma_start3A_38 : memref<1x128xi32, #tpu.memory_space<vmem>> -> memref<128xi32, #tpu.memory_space<vmem>>
        %dma_start3A_40 = arith.constant 0 : i32
        %dma_start3A_41 = arith.constant 0 : i32
        %dma_start3A_42 = tpu.memref_slice %arg9[%dma_start3A_40, %dma_start3A_41] : memref<10240x128xf32, #tpu.memory_space<vmem_shared>> -> memref<10240x128xf32, #tpu.memory_space<vmem_shared>>
        tpu.enqueue_indirect_dma source(%arg8 : memref<128x128xf32, #tpu.memory_space<vmem>>) target(%dma_start3A_42 : memref<10240x128xf32, #tpu.memory_space<vmem_shared>>) offsets(%dma_start3A_39 : memref<128xi32, #tpu.memory_space<vmem>>) semaphore(%run_scoped3A : memref<!tpu.dma_semaphore, #tpu.memory_space<semaphore_mem>>) {add = true}
        %dma_wait3A_43 = arith.constant 0 : i32
        %dma_wait3A_44 = tpu.memref_slice %arg7[%add3A_26, %dma_wait3A_43] : memref<79x128xi32, #tpu.memory_space<vmem>> -> memref<1x128xi32, #tpu.memory_space<vmem>>
        %dma_wait3A_45 = tpu.memref_squeeze %dma_wait3A_44 : memref<1x128xi32, #tpu.memory_space<vmem>> -> memref<128xi32, #tpu.memory_space<vmem>>
        %dma_wait3A_46 = arith.constant 0 : i32
        %dma_wait3A_47 = arith.constant 0 : i32
        %dma_wait3A_48 = tpu.memref_slice %arg9[%dma_wait3A_46, %dma_wait3A_47] : memref<10240x128xf32, #tpu.memory_space<vmem_shared>> -> memref<10240x128xf32, #tpu.memory_space<vmem_shared>>
        tpu.wait_indirect_dma semaphore(%run_scoped3A : memref<!tpu.dma_semaphore, #tpu.memory_space<semaphore_mem>>) src(%arg8 : memref<128x128xf32, #tpu.memory_space<vmem>>) dst(%dma_wait3A_48 : memref<10240x128xf32, #tpu.memory_space<vmem_shared>>)
        tpu.yield
      }) : () -> ()
    }
    %scan3A_15 = arith.constant 79 : i32
    %barrier3A_16 = arith.constant 0 : index
    tpu.barrier barrier_id(%barrier3A_16)
    %scan3A_17 = arith.constant 0 : i32
    %scan3A_18 = arith.constant 5 : i32
    %scan3A_19 = arith.addi %scan3A_17, %scan3A_18 : i32
    %scan3A_20 = arith.constant 1 : i32
    scf.for %scan3A_22 = %scan3A_17 to %scan3A_19 step %scan3A_20  : i32 {
      %mul3A_23 = arith.constant 1 : i32
      %mul3A_24 = arith.muli %scan3A_22, %mul3A_23 : i32
      %add3A_25 = arith.constant 0 : i32
      %add3A_26 = arith.addi %add3A_25, %mul3A_24 : i32
      %mul3A_27 = arith.constant 640 : i32
      %mul3A_28 = arith.muli %arg1, %mul3A_27 : i32
      %mul3A_29 = arith.constant 128 : i32
      %mul3A_30 = arith.muli %add3A_26, %mul3A_29 : i32
      %add3A_31 = arith.addi %mul3A_28, %mul3A_30 : i32
      %mul3A_32 = arith.constant 10240 : i32
      %mul3A_33 = arith.muli %arg0, %mul3A_32 : i32
      %add3A_34 = arith.addi %mul3A_33, %add3A_31 : i32
      "tpu.region"() ({
        %run_scoped3A = tpu.sem_alloc : memref<!tpu.dma_semaphore, #tpu.memory_space<semaphore_mem>>
        %dma_start3A = arith.constant 0 : i32
        %dma_start3A_35 = tpu.memref_slice %arg5[%add3A_34, %dma_start3A] : memref<20480x128xf32, #tpu.memory_space<hbm>> -> memref<128x128xf32, #tpu.memory_space<hbm>>
        %dma_start3A_36 = arith.constant 0 : i32
        %dma_start3A_37 = tpu.memref_slice %arg9[%add3A_31, %dma_start3A_36] : memref<10240x128xf32, #tpu.memory_space<vmem_shared>> -> memref<128x128xf32, #tpu.memory_space<vmem_shared>>
        tpu.enqueue_dma source(%dma_start3A_37 : memref<128x128xf32, #tpu.memory_space<vmem_shared>>) target(%dma_start3A_35 : memref<128x128xf32, #tpu.memory_space<hbm>>) target_semaphore(%run_scoped3A : memref<!tpu.dma_semaphore, #tpu.memory_space<semaphore_mem>>)
        %dma_wait3A = arith.constant 0 : i32
        %dma_wait3A_38 = tpu.memref_slice %arg5[%add3A_34, %dma_wait3A] : memref<20480x128xf32, #tpu.memory_space<hbm>> -> memref<128x128xf32, #tpu.memory_space<hbm>>
        %dma_wait3A_39 = arith.constant 0 : i32
        %dma_wait3A_40 = tpu.memref_slice %arg9[%add3A_31, %dma_wait3A_39] : memref<10240x128xf32, #tpu.memory_space<vmem_shared>> -> memref<128x128xf32, #tpu.memory_space<vmem_shared>>
        tpu.wait_dma2 semaphore(%run_scoped3A : memref<!tpu.dma_semaphore, #tpu.memory_space<semaphore_mem>>) src(%dma_wait3A_40 : memref<128x128xf32, #tpu.memory_space<vmem_shared>>) dst(%dma_wait3A_38 : memref<128x128xf32, #tpu.memory_space<hbm>>)
        tpu.yield
      }) : () -> ()
    }
    %scan3A_21 = arith.constant 5 : i32
    return
  }
}

#map = affine_map<(d0, d1) -> (0, 0, 0)>
#map1 = affine_map<(d0, d1) -> (0, 0)>
module attributes {stable_mosaic.version = 14 : i64} {
  func.func @deg_kernel(%arg0: i32, %arg1: i32, %arg2: memref<32x79x128xi32, #tpu.memory_space<hbm>>, %arg3: memref<32x79x128xi32, #tpu.memory_space<hbm>>, %arg4: memref<64x10240xf32, #tpu.memory_space<hbm>>, %arg5: memref<79x128xi32, #tpu.memory_space<vmem>>, %arg6: memref<79x128xi32, #tpu.memory_space<vmem>>, %arg7: memref<10240xf32, #tpu.memory_space<vmem>>, %arg8: memref<10240xf32, #tpu.memory_space<vmem>>) attributes {dimension_semantics = [#tpu.dimension_semantics<core_parallel>, #tpu.dimension_semantics<subcore_parallel>], iteration_bounds = array<i64: 2, 16>, scalar_prefetch = 0 : i64, scratch_operands = 4 : i64, tpu.core_type = #tpu.core_type<sc_vector_subcore>, window_params = [{transform_indices = #map}, {transform_indices = #map}, {transform_indices = #map1}]} {
    %mul3A = arith.constant 2 : i32
    %mul3A_0 = arith.muli %arg1, %mul3A : i32
    %add3A = arith.addi %mul3A_0, %arg0 : i32
    "tpu.region"() ({
      %run_scoped3A = tpu.sem_alloc : memref<!tpu.dma_semaphore, #tpu.memory_space<semaphore_mem>>
      %dma_start3A = arith.constant 0 : i32
      %dma_start3A_19 = arith.constant 0 : i32
      %dma_start3A_20 = tpu.memref_slice %arg2[%add3A, %dma_start3A, %dma_start3A_19] : memref<32x79x128xi32, #tpu.memory_space<hbm>> -> memref<1x79x128xi32, #tpu.memory_space<hbm>>
      %dma_start3A_21 = tpu.memref_squeeze %dma_start3A_20 : memref<1x79x128xi32, #tpu.memory_space<hbm>> -> memref<79x128xi32, #tpu.memory_space<hbm>>
      %dma_start3A_22 = arith.constant 0 : i32
      %dma_start3A_23 = arith.constant 0 : i32
      %dma_start3A_24 = tpu.memref_slice %arg2[%add3A, %dma_start3A_22, %dma_start3A_23] : memref<32x79x128xi32, #tpu.memory_space<hbm>> -> memref<1x79x128xi32, #tpu.memory_space<hbm>>
      %dma_start3A_25 = tpu.memref_squeeze %dma_start3A_24 : memref<1x79x128xi32, #tpu.memory_space<hbm>> -> memref<79x128xi32, #tpu.memory_space<hbm>>
      tpu.enqueue_dma source(%dma_start3A_25 : memref<79x128xi32, #tpu.memory_space<hbm>>) target(%arg5 : memref<79x128xi32, #tpu.memory_space<vmem>>) target_semaphore(%run_scoped3A : memref<!tpu.dma_semaphore, #tpu.memory_space<semaphore_mem>>)
      %dma_wait3A = arith.constant 0 : i32
      %dma_wait3A_26 = arith.constant 0 : i32
      %dma_wait3A_27 = tpu.memref_slice %arg2[%add3A, %dma_wait3A, %dma_wait3A_26] : memref<32x79x128xi32, #tpu.memory_space<hbm>> -> memref<1x79x128xi32, #tpu.memory_space<hbm>>
      %dma_wait3A_28 = tpu.memref_squeeze %dma_wait3A_27 : memref<1x79x128xi32, #tpu.memory_space<hbm>> -> memref<79x128xi32, #tpu.memory_space<hbm>>
      %dma_wait3A_29 = arith.constant 0 : i32
      %dma_wait3A_30 = arith.constant 0 : i32
      %dma_wait3A_31 = tpu.memref_slice %arg2[%add3A, %dma_wait3A_29, %dma_wait3A_30] : memref<32x79x128xi32, #tpu.memory_space<hbm>> -> memref<1x79x128xi32, #tpu.memory_space<hbm>>
      %dma_wait3A_32 = tpu.memref_squeeze %dma_wait3A_31 : memref<1x79x128xi32, #tpu.memory_space<hbm>> -> memref<79x128xi32, #tpu.memory_space<hbm>>
      tpu.wait_dma2 semaphore(%run_scoped3A : memref<!tpu.dma_semaphore, #tpu.memory_space<semaphore_mem>>) src(%dma_wait3A_32 : memref<79x128xi32, #tpu.memory_space<hbm>>) dst(%arg5 : memref<79x128xi32, #tpu.memory_space<vmem>>)
      tpu.yield
    }) : () -> ()
    "tpu.region"() ({
      %run_scoped3A = tpu.sem_alloc : memref<!tpu.dma_semaphore, #tpu.memory_space<semaphore_mem>>
      %dma_start3A = arith.constant 0 : i32
      %dma_start3A_19 = arith.constant 0 : i32
      %dma_start3A_20 = tpu.memref_slice %arg3[%add3A, %dma_start3A, %dma_start3A_19] : memref<32x79x128xi32, #tpu.memory_space<hbm>> -> memref<1x79x128xi32, #tpu.memory_space<hbm>>
      %dma_start3A_21 = tpu.memref_squeeze %dma_start3A_20 : memref<1x79x128xi32, #tpu.memory_space<hbm>> -> memref<79x128xi32, #tpu.memory_space<hbm>>
      %dma_start3A_22 = arith.constant 0 : i32
      %dma_start3A_23 = arith.constant 0 : i32
      %dma_start3A_24 = tpu.memref_slice %arg3[%add3A, %dma_start3A_22, %dma_start3A_23] : memref<32x79x128xi32, #tpu.memory_space<hbm>> -> memref<1x79x128xi32, #tpu.memory_space<hbm>>
      %dma_start3A_25 = tpu.memref_squeeze %dma_start3A_24 : memref<1x79x128xi32, #tpu.memory_space<hbm>> -> memref<79x128xi32, #tpu.memory_space<hbm>>
      tpu.enqueue_dma source(%dma_start3A_25 : memref<79x128xi32, #tpu.memory_space<hbm>>) target(%arg6 : memref<79x128xi32, #tpu.memory_space<vmem>>) target_semaphore(%run_scoped3A : memref<!tpu.dma_semaphore, #tpu.memory_space<semaphore_mem>>)
      %dma_wait3A = arith.constant 0 : i32
      %dma_wait3A_26 = arith.constant 0 : i32
      %dma_wait3A_27 = tpu.memref_slice %arg3[%add3A, %dma_wait3A, %dma_wait3A_26] : memref<32x79x128xi32, #tpu.memory_space<hbm>> -> memref<1x79x128xi32, #tpu.memory_space<hbm>>
      %dma_wait3A_28 = tpu.memref_squeeze %dma_wait3A_27 : memref<1x79x128xi32, #tpu.memory_space<hbm>> -> memref<79x128xi32, #tpu.memory_space<hbm>>
      %dma_wait3A_29 = arith.constant 0 : i32
      %dma_wait3A_30 = arith.constant 0 : i32
      %dma_wait3A_31 = tpu.memref_slice %arg3[%add3A, %dma_wait3A_29, %dma_wait3A_30] : memref<32x79x128xi32, #tpu.memory_space<hbm>> -> memref<1x79x128xi32, #tpu.memory_space<hbm>>
      %dma_wait3A_32 = tpu.memref_squeeze %dma_wait3A_31 : memref<1x79x128xi32, #tpu.memory_space<hbm>> -> memref<79x128xi32, #tpu.memory_space<hbm>>
      tpu.wait_dma2 semaphore(%run_scoped3A : memref<!tpu.dma_semaphore, #tpu.memory_space<semaphore_mem>>) src(%dma_wait3A_32 : memref<79x128xi32, #tpu.memory_space<hbm>>) dst(%arg6 : memref<79x128xi32, #tpu.memory_space<vmem>>)
      tpu.yield
    }) : () -> ()
    %broadcast_in_dim3A = arith.constant 0.000000e+00 : f32
    %broadcast_in_dim3A_1 = vector.broadcast %broadcast_in_dim3A : f32 to vector<16xf32>
    %scan3A = arith.constant 0 : i32
    %scan3A_2 = arith.constant 640 : i32
    %scan3A_3 = arith.addi %scan3A, %scan3A_2 : i32
    %scan3A_4 = arith.constant 1 : i32
    scf.for %scan3A_19 = %scan3A to %scan3A_3 step %scan3A_4  : i32 {
      %mul3A_20 = arith.constant 1 : i32
      %mul3A_21 = arith.muli %scan3A_19, %mul3A_20 : i32
      %add3A_22 = arith.constant 0 : i32
      %add3A_23 = arith.addi %add3A_22, %mul3A_21 : i32
      %mul3A_24 = arith.constant 16 : i32
      %mul3A_25 = arith.muli %add3A_23, %mul3A_24 : i32
      %swap3A = arith.index_cast %mul3A_25 : i32 to index
      %swap3A_26 = tpu.vector_load %arg7[%swap3A] {strides = array<i32>} : memref<10240xf32, #tpu.memory_space<vmem>>, vector<16xf32>,
      tpu.vector_store %arg7[%swap3A], %broadcast_in_dim3A_1 {strides = array<i32>} : memref<10240xf32, #tpu.memory_space<vmem>>, vector<16xf32>,
      %mul3A_27 = arith.constant 16 : i32
      %mul3A_28 = arith.muli %add3A_23, %mul3A_27 : i32
      %swap3A_29 = arith.index_cast %mul3A_28 : i32 to index
      %swap3A_30 = tpu.vector_load %arg8[%swap3A_29] {strides = array<i32>} : memref<10240xf32, #tpu.memory_space<vmem>>, vector<16xf32>,
      tpu.vector_store %arg8[%swap3A_29], %broadcast_in_dim3A_1 {strides = array<i32>} : memref<10240xf32, #tpu.memory_space<vmem>>, vector<16xf32>,
    }
    %scan3A_5 = arith.constant 640 : i32
    %broadcast_in_dim3A_6 = arith.constant 1.000000e+00 : f32
    %broadcast_in_dim3A_7 = vector.broadcast %broadcast_in_dim3A_6 : f32 to vector<16xf32>
    %scan3A_8 = arith.constant 0 : i32
    %scan3A_9 = arith.constant 79 : i32
    %scan3A_10 = arith.addi %scan3A_8, %scan3A_9 : i32
    %scan3A_11 = arith.constant 1 : i32
    scf.for %scan3A_19 = %scan3A_8 to %scan3A_10 step %scan3A_11  : i32 {
      %mul3A_20 = arith.constant 1 : i32
      %mul3A_21 = arith.muli %scan3A_19, %mul3A_20 : i32
      %add3A_22 = arith.constant 0 : i32
      %add3A_23 = arith.addi %add3A_22, %mul3A_21 : i32
      %scan3A_24 = arith.constant 0 : i32
      %scan3A_25 = arith.constant 8 : i32
      %scan3A_26 = arith.addi %scan3A_24, %scan3A_25 : i32
      %scan3A_27 = arith.constant 1 : i32
      scf.for %scan3A_29 = %scan3A_24 to %scan3A_26 step %scan3A_27  : i32 {
        %mul3A_30 = arith.constant 1 : i32
        %mul3A_31 = arith.muli %scan3A_29, %mul3A_30 : i32
        %add3A_32 = arith.constant 0 : i32
        %add3A_33 = arith.addi %add3A_32, %mul3A_31 : i32
        %mul3A_34 = arith.constant 16 : i32
        %mul3A_35 = arith.muli %add3A_33, %mul3A_34 : i32
        %get3A = arith.index_cast %add3A_23 : i32 to index
        %get3A_36 = arith.index_cast %mul3A_35 : i32 to index
        %get3A_37 = tpu.vector_load %arg5[%get3A, %get3A_36] {strides = array<i32>} : memref<79x128xi32, #tpu.memory_space<vmem>>, vector<16xi32>,
        %mul3A_38 = arith.constant 16 : i32
        %mul3A_39 = arith.muli %add3A_33, %mul3A_38 : i32
        %get3A_40 = arith.index_cast %add3A_23 : i32 to index
        %get3A_41 = arith.index_cast %mul3A_39 : i32 to index
        %get3A_42 = tpu.vector_load %arg6[%get3A_40, %get3A_41] {strides = array<i32>} : memref<79x128xi32, #tpu.memory_space<vmem>>, vector<16xi32>,
        tpu.vector_store_idx %arg7[%get3A_37], %broadcast_in_dim3A_7 {add = true} : memref<10240xf32, #tpu.memory_space<vmem>>[vector<16xi32>], vector<16xf32>,
        tpu.vector_store_idx %arg8[%get3A_42], %broadcast_in_dim3A_7 {add = true} : memref<10240xf32, #tpu.memory_space<vmem>>[vector<16xi32>], vector<16xf32>,
      }
      %scan3A_28 = arith.constant 8 : i32
    }
    %scan3A_12 = arith.constant 79 : i32
    %mul3A_13 = arith.constant 2 : i32
    %mul3A_14 = arith.muli %mul3A_13, %add3A : i32
    "tpu.region"() ({
      %run_scoped3A = tpu.sem_alloc : memref<!tpu.dma_semaphore, #tpu.memory_space<semaphore_mem>>
      %dma_start3A = arith.constant 0 : i32
      %dma_start3A_19 = tpu.memref_slice %arg4[%mul3A_14, %dma_start3A] : memref<64x10240xf32, #tpu.memory_space<hbm>> -> memref<1x10240xf32, #tpu.memory_space<hbm>>
      %dma_start3A_20 = tpu.memref_squeeze %dma_start3A_19 : memref<1x10240xf32, #tpu.memory_space<hbm>> -> memref<10240xf32, #tpu.memory_space<hbm>>
      %dma_start3A_21 = arith.constant 0 : i32
      %dma_start3A_22 = tpu.memref_slice %arg4[%mul3A_14, %dma_start3A_21] : memref<64x10240xf32, #tpu.memory_space<hbm>> -> memref<1x10240xf32, #tpu.memory_space<hbm>>
      %dma_start3A_23 = tpu.memref_squeeze %dma_start3A_22 : memref<1x10240xf32, #tpu.memory_space<hbm>> -> memref<10240xf32, #tpu.memory_space<hbm>>
      tpu.enqueue_dma source(%arg7 : memref<10240xf32, #tpu.memory_space<vmem>>) target(%dma_start3A_23 : memref<10240xf32, #tpu.memory_space<hbm>>) target_semaphore(%run_scoped3A : memref<!tpu.dma_semaphore, #tpu.memory_space<semaphore_mem>>)
      %dma_wait3A = arith.constant 0 : i32
      %dma_wait3A_24 = tpu.memref_slice %arg4[%mul3A_14, %dma_wait3A] : memref<64x10240xf32, #tpu.memory_space<hbm>> -> memref<1x10240xf32, #tpu.memory_space<hbm>>
      %dma_wait3A_25 = tpu.memref_squeeze %dma_wait3A_24 : memref<1x10240xf32, #tpu.memory_space<hbm>> -> memref<10240xf32, #tpu.memory_space<hbm>>
      %dma_wait3A_26 = arith.constant 0 : i32
      %dma_wait3A_27 = tpu.memref_slice %arg4[%mul3A_14, %dma_wait3A_26] : memref<64x10240xf32, #tpu.memory_space<hbm>> -> memref<1x10240xf32, #tpu.memory_space<hbm>>
      %dma_wait3A_28 = tpu.memref_squeeze %dma_wait3A_27 : memref<1x10240xf32, #tpu.memory_space<hbm>> -> memref<10240xf32, #tpu.memory_space<hbm>>
      tpu.wait_dma2 semaphore(%run_scoped3A : memref<!tpu.dma_semaphore, #tpu.memory_space<semaphore_mem>>) src(%arg7 : memref<10240xf32, #tpu.memory_space<vmem>>) dst(%dma_wait3A_28 : memref<10240xf32, #tpu.memory_space<hbm>>)
      tpu.yield
    }) : () -> ()
    %mul3A_15 = arith.constant 2 : i32
    %mul3A_16 = arith.muli %mul3A_15, %add3A : i32
    %add3A_17 = arith.constant 1 : i32
    %add3A_18 = arith.addi %mul3A_16, %add3A_17 : i32
    "tpu.region"() ({
      %run_scoped3A = tpu.sem_alloc : memref<!tpu.dma_semaphore, #tpu.memory_space<semaphore_mem>>
      %dma_start3A = arith.constant 0 : i32
      %dma_start3A_19 = tpu.memref_slice %arg4[%add3A_18, %dma_start3A] : memref<64x10240xf32, #tpu.memory_space<hbm>> -> memref<1x10240xf32, #tpu.memory_space<hbm>>
      %dma_start3A_20 = tpu.memref_squeeze %dma_start3A_19 : memref<1x10240xf32, #tpu.memory_space<hbm>> -> memref<10240xf32, #tpu.memory_space<hbm>>
      %dma_start3A_21 = arith.constant 0 : i32
      %dma_start3A_22 = tpu.memref_slice %arg4[%add3A_18, %dma_start3A_21] : memref<64x10240xf32, #tpu.memory_space<hbm>> -> memref<1x10240xf32, #tpu.memory_space<hbm>>
      %dma_start3A_23 = tpu.memref_squeeze %dma_start3A_22 : memref<1x10240xf32, #tpu.memory_space<hbm>> -> memref<10240xf32, #tpu.memory_space<hbm>>
      tpu.enqueue_dma source(%arg8 : memref<10240xf32, #tpu.memory_space<vmem>>) target(%dma_start3A_23 : memref<10240xf32, #tpu.memory_space<hbm>>) target_semaphore(%run_scoped3A : memref<!tpu.dma_semaphore, #tpu.memory_space<semaphore_mem>>)
      %dma_wait3A = arith.constant 0 : i32
      %dma_wait3A_24 = tpu.memref_slice %arg4[%add3A_18, %dma_wait3A] : memref<64x10240xf32, #tpu.memory_space<hbm>> -> memref<1x10240xf32, #tpu.memory_space<hbm>>
      %dma_wait3A_25 = tpu.memref_squeeze %dma_wait3A_24 : memref<1x10240xf32, #tpu.memory_space<hbm>> -> memref<10240xf32, #tpu.memory_space<hbm>>
      %dma_wait3A_26 = arith.constant 0 : i32
      %dma_wait3A_27 = tpu.memref_slice %arg4[%add3A_18, %dma_wait3A_26] : memref<64x10240xf32, #tpu.memory_space<hbm>> -> memref<1x10240xf32, #tpu.memory_space<hbm>>
      %dma_wait3A_28 = tpu.memref_squeeze %dma_wait3A_27 : memref<1x10240xf32, #tpu.memory_space<hbm>> -> memref<10240xf32, #tpu.memory_space<hbm>>
      tpu.wait_dma2 semaphore(%run_scoped3A : memref<!tpu.dma_semaphore, #tpu.memory_space<semaphore_mem>>) src(%arg8 : memref<10240xf32, #tpu.memory_space<vmem>>) dst(%dma_wait3A_28 : memref<10240xf32, #tpu.memory_space<hbm>>)
      tpu.yield
    }) : () -> ()
    return
  }
}

#map = affine_map<(d0, d1) -> (0, 0)>
#map1 = affine_map<(d0, d1) -> (0, 0, 0)>
module attributes {stable_mosaic.version = 14 : i64} {
  func.func @mp_kernel(%arg0: i32, %arg1: i32, %arg2: memref<10240x128xf32, #tpu.memory_space<hbm>>, %arg3: memref<32x79x128xi32, #tpu.memory_space<hbm>>, %arg4: memref<32x79x128xi32, #tpu.memory_space<hbm>>, %arg5: memref<20480x128xf32, #tpu.memory_space<hbm>>, %arg6: memref<79x128xi32, #tpu.memory_space<vmem>>, %arg7: memref<79x128xi32, #tpu.memory_space<vmem>>, %arg8: memref<128x128xf32, #tpu.memory_space<vmem>>, %arg9: memref<10240x128xf32, #tpu.memory_space<vmem_shared>>, %arg10: memref<!tpu.dma_semaphore, #tpu.memory_space<semaphore_mem>>) attributes {dimension_semantics = [#tpu.dimension_semantics<core_parallel>, #tpu.dimension_semantics<subcore_parallel>], iteration_bounds = array<i64: 2, 16>, scalar_prefetch = 0 : i64, scratch_operands = 5 : i64, tpu.core_type = #tpu.core_type<sc_vector_subcore>, window_params = [{transform_indices = #map}, {transform_indices = #map1}, {transform_indices = #map1}, {transform_indices = #map}]} {
    %mul3A = arith.constant 2 : i32
    %mul3A_0 = arith.muli %arg1, %mul3A : i32
    %add3A = arith.addi %mul3A_0, %arg0 : i32
    "tpu.region"() ({
      %run_scoped3A = tpu.sem_alloc : memref<!tpu.dma_semaphore, #tpu.memory_space<semaphore_mem>>
      %dma_start3A = arith.constant 0 : i32
      %dma_start3A_22 = arith.constant 0 : i32
      %dma_start3A_23 = tpu.memref_slice %arg3[%add3A, %dma_start3A, %dma_start3A_22] : memref<32x79x128xi32, #tpu.memory_space<hbm>> -> memref<1x79x128xi32, #tpu.memory_space<hbm>>
      %dma_start3A_24 = tpu.memref_squeeze %dma_start3A_23 : memref<1x79x128xi32, #tpu.memory_space<hbm>> -> memref<79x128xi32, #tpu.memory_space<hbm>>
      %dma_start3A_25 = arith.constant 0 : i32
      %dma_start3A_26 = arith.constant 0 : i32
      %dma_start3A_27 = tpu.memref_slice %arg3[%add3A, %dma_start3A_25, %dma_start3A_26] : memref<32x79x128xi32, #tpu.memory_space<hbm>> -> memref<1x79x128xi32, #tpu.memory_space<hbm>>
      %dma_start3A_28 = tpu.memref_squeeze %dma_start3A_27 : memref<1x79x128xi32, #tpu.memory_space<hbm>> -> memref<79x128xi32, #tpu.memory_space<hbm>>
      tpu.enqueue_dma source(%dma_start3A_28 : memref<79x128xi32, #tpu.memory_space<hbm>>) target(%arg6 : memref<79x128xi32, #tpu.memory_space<vmem>>) target_semaphore(%run_scoped3A : memref<!tpu.dma_semaphore, #tpu.memory_space<semaphore_mem>>)
      %dma_wait3A = arith.constant 0 : i32
      %dma_wait3A_29 = arith.constant 0 : i32
      %dma_wait3A_30 = tpu.memref_slice %arg3[%add3A, %dma_wait3A, %dma_wait3A_29] : memref<32x79x128xi32, #tpu.memory_space<hbm>> -> memref<1x79x128xi32, #tpu.memory_space<hbm>>
      %dma_wait3A_31 = tpu.memref_squeeze %dma_wait3A_30 : memref<1x79x128xi32, #tpu.memory_space<hbm>> -> memref<79x128xi32, #tpu.memory_space<hbm>>
      %dma_wait3A_32 = arith.constant 0 : i32
      %dma_wait3A_33 = arith.constant 0 : i32
      %dma_wait3A_34 = tpu.memref_slice %arg3[%add3A, %dma_wait3A_32, %dma_wait3A_33] : memref<32x79x128xi32, #tpu.memory_space<hbm>> -> memref<1x79x128xi32, #tpu.memory_space<hbm>>
      %dma_wait3A_35 = tpu.memref_squeeze %dma_wait3A_34 : memref<1x79x128xi32, #tpu.memory_space<hbm>> -> memref<79x128xi32, #tpu.memory_space<hbm>>
      tpu.wait_dma2 semaphore(%run_scoped3A : memref<!tpu.dma_semaphore, #tpu.memory_space<semaphore_mem>>) src(%dma_wait3A_35 : memref<79x128xi32, #tpu.memory_space<hbm>>) dst(%arg6 : memref<79x128xi32, #tpu.memory_space<vmem>>)
      tpu.yield
    }) : () -> ()
    "tpu.region"() ({
      %run_scoped3A = tpu.sem_alloc : memref<!tpu.dma_semaphore, #tpu.memory_space<semaphore_mem>>
      %dma_start3A = arith.constant 0 : i32
      %dma_start3A_22 = arith.constant 0 : i32
      %dma_start3A_23 = tpu.memref_slice %arg4[%add3A, %dma_start3A, %dma_start3A_22] : memref<32x79x128xi32, #tpu.memory_space<hbm>> -> memref<1x79x128xi32, #tpu.memory_space<hbm>>
      %dma_start3A_24 = tpu.memref_squeeze %dma_start3A_23 : memref<1x79x128xi32, #tpu.memory_space<hbm>> -> memref<79x128xi32, #tpu.memory_space<hbm>>
      %dma_start3A_25 = arith.constant 0 : i32
      %dma_start3A_26 = arith.constant 0 : i32
      %dma_start3A_27 = tpu.memref_slice %arg4[%add3A, %dma_start3A_25, %dma_start3A_26] : memref<32x79x128xi32, #tpu.memory_space<hbm>> -> memref<1x79x128xi32, #tpu.memory_space<hbm>>
      %dma_start3A_28 = tpu.memref_squeeze %dma_start3A_27 : memref<1x79x128xi32, #tpu.memory_space<hbm>> -> memref<79x128xi32, #tpu.memory_space<hbm>>
      tpu.enqueue_dma source(%dma_start3A_28 : memref<79x128xi32, #tpu.memory_space<hbm>>) target(%arg7 : memref<79x128xi32, #tpu.memory_space<vmem>>) target_semaphore(%run_scoped3A : memref<!tpu.dma_semaphore, #tpu.memory_space<semaphore_mem>>)
      %dma_wait3A = arith.constant 0 : i32
      %dma_wait3A_29 = arith.constant 0 : i32
      %dma_wait3A_30 = tpu.memref_slice %arg4[%add3A, %dma_wait3A, %dma_wait3A_29] : memref<32x79x128xi32, #tpu.memory_space<hbm>> -> memref<1x79x128xi32, #tpu.memory_space<hbm>>
      %dma_wait3A_31 = tpu.memref_squeeze %dma_wait3A_30 : memref<1x79x128xi32, #tpu.memory_space<hbm>> -> memref<79x128xi32, #tpu.memory_space<hbm>>
      %dma_wait3A_32 = arith.constant 0 : i32
      %dma_wait3A_33 = arith.constant 0 : i32
      %dma_wait3A_34 = tpu.memref_slice %arg4[%add3A, %dma_wait3A_32, %dma_wait3A_33] : memref<32x79x128xi32, #tpu.memory_space<hbm>> -> memref<1x79x128xi32, #tpu.memory_space<hbm>>
      %dma_wait3A_35 = tpu.memref_squeeze %dma_wait3A_34 : memref<1x79x128xi32, #tpu.memory_space<hbm>> -> memref<79x128xi32, #tpu.memory_space<hbm>>
      tpu.wait_dma2 semaphore(%run_scoped3A : memref<!tpu.dma_semaphore, #tpu.memory_space<semaphore_mem>>) src(%dma_wait3A_35 : memref<79x128xi32, #tpu.memory_space<hbm>>) dst(%arg7 : memref<79x128xi32, #tpu.memory_space<vmem>>)
      tpu.yield
    }) : () -> ()
    %broadcast_in_dim3A = arith.constant 0.000000e+00 : f32
    %broadcast_in_dim3A_1 = vector.broadcast %broadcast_in_dim3A : f32 to vector<16xf32>
    %scan3A = arith.constant 0 : i32
    %scan3A_2 = arith.constant 128 : i32
    %scan3A_3 = arith.addi %scan3A, %scan3A_2 : i32
    %scan3A_4 = arith.constant 1 : i32
    scf.for %scan3A_22 = %scan3A to %scan3A_3 step %scan3A_4  : i32 {
      %mul3A_23 = arith.constant 1 : i32
      %mul3A_24 = arith.muli %scan3A_22, %mul3A_23 : i32
      %add3A_25 = arith.constant 0 : i32
      %add3A_26 = arith.addi %add3A_25, %mul3A_24 : i32
      %scan3A_27 = arith.constant 0 : i32
      %scan3A_28 = arith.constant 8 : i32
      %scan3A_29 = arith.addi %scan3A_27, %scan3A_28 : i32
      %scan3A_30 = arith.constant 1 : i32
      scf.for %scan3A_32 = %scan3A_27 to %scan3A_29 step %scan3A_30  : i32 {
        %mul3A_33 = arith.constant 1 : i32
        %mul3A_34 = arith.muli %scan3A_32, %mul3A_33 : i32
        %add3A_35 = arith.constant 0 : i32
        %add3A_36 = arith.addi %add3A_35, %mul3A_34 : i32
        %mul3A_37 = arith.constant 16 : i32
        %mul3A_38 = arith.muli %add3A_36, %mul3A_37 : i32
        %swap3A = arith.index_cast %add3A_26 : i32 to index
        %swap3A_39 = arith.index_cast %mul3A_38 : i32 to index
        %swap3A_40 = tpu.vector_load %arg8[%swap3A, %swap3A_39] {strides = array<i32>} : memref<128x128xf32, #tpu.memory_space<vmem>>, vector<16xf32>,
        tpu.vector_store %arg8[%swap3A, %swap3A_39], %broadcast_in_dim3A_1 {strides = array<i32>} : memref<128x128xf32, #tpu.memory_space<vmem>>, vector<16xf32>,
      }
      %scan3A_31 = arith.constant 8 : i32
    }
    %scan3A_5 = arith.constant 128 : i32
    %scan3A_6 = arith.constant 0 : i32
    %scan3A_7 = arith.constant 5 : i32
    %scan3A_8 = arith.addi %scan3A_6, %scan3A_7 : i32
    %scan3A_9 = arith.constant 1 : i32
    scf.for %scan3A_22 = %scan3A_6 to %scan3A_8 step %scan3A_9  : i32 {
      %mul3A_23 = arith.constant 1 : i32
      %mul3A_24 = arith.muli %scan3A_22, %mul3A_23 : i32
      %add3A_25 = arith.constant 0 : i32
      %add3A_26 = arith.addi %add3A_25, %mul3A_24 : i32
      %mul3A_27 = arith.constant 640 : i32
      %mul3A_28 = arith.muli %arg1, %mul3A_27 : i32
      %mul3A_29 = arith.constant 128 : i32
      %mul3A_30 = arith.muli %add3A_26, %mul3A_29 : i32
      %add3A_31 = arith.addi %mul3A_28, %mul3A_30 : i32
      "tpu.region"() ({
        %run_scoped3A = tpu.sem_alloc : memref<!tpu.dma_semaphore, #tpu.memory_space<semaphore_mem>>
        %dma_start3A = arith.constant 0 : i32
        %dma_start3A_32 = tpu.memref_slice %arg9[%add3A_31, %dma_start3A] : memref<10240x128xf32, #tpu.memory_space<vmem_shared>> -> memref<128x128xf32, #tpu.memory_space<vmem_shared>>
        %dma_start3A_33 = arith.constant 0 : i32
        %dma_start3A_34 = tpu.memref_slice %arg9[%add3A_31, %dma_start3A_33] : memref<10240x128xf32, #tpu.memory_space<vmem_shared>> -> memref<128x128xf32, #tpu.memory_space<vmem_shared>>
        tpu.enqueue_dma source(%arg8 : memref<128x128xf32, #tpu.memory_space<vmem>>) target(%dma_start3A_34 : memref<128x128xf32, #tpu.memory_space<vmem_shared>>) target_semaphore(%run_scoped3A : memref<!tpu.dma_semaphore, #tpu.memory_space<semaphore_mem>>)
        %dma_wait3A = arith.constant 0 : i32
        %dma_wait3A_35 = tpu.memref_slice %arg9[%add3A_31, %dma_wait3A] : memref<10240x128xf32, #tpu.memory_space<vmem_shared>> -> memref<128x128xf32, #tpu.memory_space<vmem_shared>>
        %dma_wait3A_36 = arith.constant 0 : i32
        %dma_wait3A_37 = tpu.memref_slice %arg9[%add3A_31, %dma_wait3A_36] : memref<10240x128xf32, #tpu.memory_space<vmem_shared>> -> memref<128x128xf32, #tpu.memory_space<vmem_shared>>
        tpu.wait_dma2 semaphore(%run_scoped3A : memref<!tpu.dma_semaphore, #tpu.memory_space<semaphore_mem>>) src(%arg8 : memref<128x128xf32, #tpu.memory_space<vmem>>) dst(%dma_wait3A_37 : memref<128x128xf32, #tpu.memory_space<vmem_shared>>)
        tpu.yield
      }) : () -> ()
    }
    %scan3A_10 = arith.constant 5 : i32
    %barrier3A = arith.constant 0 : index
    tpu.barrier barrier_id(%barrier3A)
    %scan3A_11 = arith.constant 0 : i32
    %scan3A_12 = arith.constant 79 : i32
    %scan3A_13 = arith.addi %scan3A_11, %scan3A_12 : i32
    %scan3A_14 = arith.constant 1 : i32
    scf.for %scan3A_22 = %scan3A_11 to %scan3A_13 step %scan3A_14  : i32 {
      %mul3A_23 = arith.constant 1 : i32
      %mul3A_24 = arith.muli %scan3A_22, %mul3A_23 : i32
      %add3A_25 = arith.constant 0 : i32
      %add3A_26 = arith.addi %add3A_25, %mul3A_24 : i32
      %dma_start3A = arith.constant 0 : i32
      %dma_start3A_27 = tpu.memref_slice %arg6[%add3A_26, %dma_start3A] : memref<79x128xi32, #tpu.memory_space<vmem>> -> memref<1x128xi32, #tpu.memory_space<vmem>>
      %dma_start3A_28 = tpu.memref_squeeze %dma_start3A_27 : memref<1x128xi32, #tpu.memory_space<vmem>> -> memref<128xi32, #tpu.memory_space<vmem>>
      %dma_start3A_29 = arith.constant 0 : i32
      %dma_start3A_30 = arith.constant 0 : i32
      %dma_start3A_31 = tpu.memref_slice %arg2[%dma_start3A_29, %dma_start3A_30] : memref<10240x128xf32, #tpu.memory_space<hbm>> -> memref<10240x128xf32, #tpu.memory_space<hbm>>
      tpu.enqueue_indirect_dma source(%dma_start3A_31 : memref<10240x128xf32, #tpu.memory_space<hbm>>) target(%arg8 : memref<128x128xf32, #tpu.memory_space<vmem>>) offsets(%dma_start3A_28 : memref<128xi32, #tpu.memory_space<vmem>>) semaphore(%arg10 : memref<!tpu.dma_semaphore, #tpu.memory_space<semaphore_mem>>)
      %dma_wait3A = arith.constant 0 : i32
      %dma_wait3A_32 = tpu.memref_slice %arg6[%add3A_26, %dma_wait3A] : memref<79x128xi32, #tpu.memory_space<vmem>> -> memref<1x128xi32, #tpu.memory_space<vmem>>
      %dma_wait3A_33 = tpu.memref_squeeze %dma_wait3A_32 : memref<1x128xi32, #tpu.memory_space<vmem>> -> memref<128xi32, #tpu.memory_space<vmem>>
      %dma_wait3A_34 = arith.constant 0 : i32
      %dma_wait3A_35 = arith.constant 0 : i32
      %dma_wait3A_36 = tpu.memref_slice %arg2[%dma_wait3A_34, %dma_wait3A_35] : memref<10240x128xf32, #tpu.memory_space<hbm>> -> memref<10240x128xf32, #tpu.memory_space<hbm>>
      tpu.wait_indirect_dma semaphore(%arg10 : memref<!tpu.dma_semaphore, #tpu.memory_space<semaphore_mem>>) src(%dma_wait3A_36 : memref<10240x128xf32, #tpu.memory_space<hbm>>) dst(%arg8 : memref<128x128xf32, #tpu.memory_space<vmem>>)
      "tpu.region"() ({
        %run_scoped3A = tpu.sem_alloc : memref<!tpu.dma_semaphore, #tpu.memory_space<semaphore_mem>>
        %dma_start3A_37 = arith.constant 0 : i32
        %dma_start3A_38 = tpu.memref_slice %arg7[%add3A_26, %dma_start3A_37] : memref<79x128xi32, #tpu.memory_space<vmem>> -> memref<1x128xi32, #tpu.memory_space<vmem>>
        %dma_start3A_39 = tpu.memref_squeeze %dma_start3A_38 : memref<1x128xi32, #tpu.memory_space<vmem>> -> memref<128xi32, #tpu.memory_space<vmem>>
        %dma_start3A_40 = arith.constant 0 : i32
        %dma_start3A_41 = arith.constant 0 : i32
        %dma_start3A_42 = tpu.memref_slice %arg9[%dma_start3A_40, %dma_start3A_41] : memref<10240x128xf32, #tpu.memory_space<vmem_shared>> -> memref<10240x128xf32, #tpu.memory_space<vmem_shared>>
        tpu.enqueue_indirect_dma source(%arg8 : memref<128x128xf32, #tpu.memory_space<vmem>>) target(%dma_start3A_42 : memref<10240x128xf32, #tpu.memory_space<vmem_shared>>) offsets(%dma_start3A_39 : memref<128xi32, #tpu.memory_space<vmem>>) semaphore(%run_scoped3A : memref<!tpu.dma_semaphore, #tpu.memory_space<semaphore_mem>>) {add = true}
        %dma_wait3A_43 = arith.constant 0 : i32
        %dma_wait3A_44 = tpu.memref_slice %arg7[%add3A_26, %dma_wait3A_43] : memref<79x128xi32, #tpu.memory_space<vmem>> -> memref<1x128xi32, #tpu.memory_space<vmem>>
        %dma_wait3A_45 = tpu.memref_squeeze %dma_wait3A_44 : memref<1x128xi32, #tpu.memory_space<vmem>> -> memref<128xi32, #tpu.memory_space<vmem>>
        %dma_wait3A_46 = arith.constant 0 : i32
        %dma_wait3A_47 = arith.constant 0 : i32
        %dma_wait3A_48 = tpu.memref_slice %arg9[%dma_wait3A_46, %dma_wait3A_47] : memref<10240x128xf32, #tpu.memory_space<vmem_shared>> -> memref<10240x128xf32, #tpu.memory_space<vmem_shared>>
        tpu.wait_indirect_dma semaphore(%run_scoped3A : memref<!tpu.dma_semaphore, #tpu.memory_space<semaphore_mem>>) src(%arg8 : memref<128x128xf32, #tpu.memory_space<vmem>>) dst(%dma_wait3A_48 : memref<10240x128xf32, #tpu.memory_space<vmem_shared>>)
        tpu.yield
      }) : () -> ()
    }
    %scan3A_15 = arith.constant 79 : i32
    %barrier3A_16 = arith.constant 0 : index
    tpu.barrier barrier_id(%barrier3A_16)
    %scan3A_17 = arith.constant 0 : i32
    %scan3A_18 = arith.constant 5 : i32
    %scan3A_19 = arith.addi %scan3A_17, %scan3A_18 : i32
    %scan3A_20 = arith.constant 1 : i32
    scf.for %scan3A_22 = %scan3A_17 to %scan3A_19 step %scan3A_20  : i32 {
      %mul3A_23 = arith.constant 1 : i32
      %mul3A_24 = arith.muli %scan3A_22, %mul3A_23 : i32
      %add3A_25 = arith.constant 0 : i32
      %add3A_26 = arith.addi %add3A_25, %mul3A_24 : i32
      %mul3A_27 = arith.constant 640 : i32
      %mul3A_28 = arith.muli %arg1, %mul3A_27 : i32
      %mul3A_29 = arith.constant 128 : i32
      %mul3A_30 = arith.muli %add3A_26, %mul3A_29 : i32
      %add3A_31 = arith.addi %mul3A_28, %mul3A_30 : i32
      %mul3A_32 = arith.constant 10240 : i32
      %mul3A_33 = arith.muli %arg0, %mul3A_32 : i32
      %add3A_34 = arith.addi %mul3A_33, %add3A_31 : i32
      "tpu.region"() ({
        %run_scoped3A = tpu.sem_alloc : memref<!tpu.dma_semaphore, #tpu.memory_space<semaphore_mem>>
        %dma_start3A = arith.constant 0 : i32
        %dma_start3A_35 = tpu.memref_slice %arg5[%add3A_34, %dma_start3A] : memref<20480x128xf32, #tpu.memory_space<hbm>> -> memref<128x128xf32, #tpu.memory_space<hbm>>
        %dma_start3A_36 = arith.constant 0 : i32
        %dma_start3A_37 = tpu.memref_slice %arg9[%add3A_31, %dma_start3A_36] : memref<10240x128xf32, #tpu.memory_space<vmem_shared>> -> memref<128x128xf32, #tpu.memory_space<vmem_shared>>
        tpu.enqueue_dma source(%dma_start3A_37 : memref<128x128xf32, #tpu.memory_space<vmem_shared>>) target(%dma_start3A_35 : memref<128x128xf32, #tpu.memory_space<hbm>>) target_semaphore(%run_scoped3A : memref<!tpu.dma_semaphore, #tpu.memory_space<semaphore_mem>>)
        %dma_wait3A = arith.constant 0 : i32
        %dma_wait3A_38 = tpu.memref_slice %arg5[%add3A_34, %dma_wait3A] : memref<20480x128xf32, #tpu.memory_space<hbm>> -> memref<128x128xf32, #tpu.memory_space<hbm>>
        %dma_wait3A_39 = arith.constant 0 : i32
        %dma_wait3A_40 = tpu.memref_slice %arg9[%add3A_31, %dma_wait3A_39] : memref<10240x128xf32, #tpu.memory_space<vmem_shared>> -> memref<128x128xf32, #tpu.memory_space<vmem_shared>>
        tpu.wait_dma2 semaphore(%run_scoped3A : memref<!tpu.dma_semaphore, #tpu.memory_space<semaphore_mem>>) src(%dma_wait3A_40 : memref<128x128xf32, #tpu.memory_space<vmem_shared>>) dst(%dma_wait3A_38 : memref<128x128xf32, #tpu.memory_space<hbm>>)
        tpu.yield
      }) : () -> ()
    }
    %scan3A_21 = arith.constant 5 : i32
    return
  }
}

module attributes {stable_mosaic.version = 14 : i64} {
  func.func @body(%arg0: memref<32x2x10240xf32, #tpu.memory_space<vmem>>, %arg1: memref<2x10240xf32, #tpu.memory_space<vmem>>) attributes {dimension_semantics = [], scalar_prefetch = 0 : i64, scratch_operands = 0 : i64, tpu.core_type = #tpu.core_type<tc>} {
    %get3A = arith.constant 0 : index
    %get3A_0 = arith.constant 0 : index
    %get3A_1 = arith.constant 0 : index
    %get3A_2 = vector.load %arg0[%get3A, %get3A_0, %get3A_1] : memref<32x2x10240xf32, #tpu.memory_space<vmem>>, vector<32x2x10240xf32>
    %reduce_sum3A = arith.constant dense<0.000000e+00> : vector<2x10240xf32>
    %reduce_sum3A_3 = vector.multi_reduction <add>, %get3A_2, %reduce_sum3A [0] : vector<32x2x10240xf32> to vector<2x10240xf32>
    %gt3A = arith.constant 0.000000e+00 : f32
    %gt3A_4 = vector.broadcast %gt3A : f32 to vector<2x10240xf32>
    %gt3A_5 = arith.cmpf ogt, %reduce_sum3A_3, %gt3A_4 : vector<2x10240xf32>
    %max3A = arith.constant 1.000000e+00 : f32
    %max3A_6 = vector.broadcast %max3A : f32 to vector<2x10240xf32>
    %max3A_7 = arith.maximumf %reduce_sum3A_3, %max3A_6 : vector<2x10240xf32>
    %rsqrt3A = math.rsqrt %max3A_7 : vector<2x10240xf32>
    %jit3A = arith.constant 0.000000e+00 : f32
    %broadcast_in_dim3A = vector.broadcast %jit3A : f32 to vector<2x10240xf32>
    %select_n3A = arith.select %gt3A_5, %rsqrt3A, %broadcast_in_dim3A : vector<2x10240xi1>, vector<2x10240xf32>
    %swap3A = arith.constant 0 : index
    %swap3A_8 = arith.constant 0 : index
    %swap3A_9 = vector.load %arg1[%swap3A, %swap3A_8] : memref<2x10240xf32, #tpu.memory_space<vmem>>, vector<2x10240xf32>
    tpu.vector_store %arg1[%swap3A, %swap3A_8], %select_n3A {strides = array<i32>} : memref<2x10240xf32, #tpu.memory_space<vmem>>, vector<2x10240xf32>,
    return
  }
}

module attributes {stable_mosaic.version = 14 : i64} {
  func.func @body(%arg0: i32, %arg1: memref<1024x128xf32, #tpu.memory_space<vmem>>, %arg2: memref<128x128xf32, #tpu.memory_space<vmem>>, %arg3: memref<1024x1xf32, #tpu.memory_space<vmem>>, %arg4: memref<1024x128xf32, #tpu.memory_space<vmem>>) attributes {dimension_semantics = [#tpu.dimension_semantics<arbitrary>], iteration_bounds = array<i64: 10>, scalar_prefetch = 0 : i64, scratch_operands = 0 : i64, tpu.core_type = #tpu.core_type<tc>, window_params = [{transform_indices = @transform_0, window_bounds = array<i64: 1024, 128>}, {pipeline_mode = #tpu.pipeline_mode<synchronous>, transform_indices = @transform_1, window_bounds = array<i64: 128, 128>}, {transform_indices = @transform_2, window_bounds = array<i64: 1024, 1>}, {transform_indices = @transform_3, window_bounds = array<i64: 1024, 128>}]} {
    %get3A = arith.constant 0 : index
    %get3A_0 = arith.constant 0 : index
    %get3A_1 = vector.load %arg1[%get3A, %get3A_0] : memref<1024x128xf32, #tpu.memory_space<vmem>>, vector<1024x128xf32>
    %get3A_2 = arith.constant 0 : index
    %get3A_3 = arith.constant 0 : index
    %get3A_4 = vector.load %arg2[%get3A_2, %get3A_3] : memref<128x128xf32, #tpu.memory_space<vmem>>, vector<128x128xf32>
    %dot_general3A = arith.constant dense<0.000000e+00> : vector<1024x128xf32>
    %dot_general3A_5 = tpu.matmul %get3A_1, %get3A_4, %dot_general3A {dimension_numbers = #tpu.dot_dimension_numbers<[1], [0], [0], [1], [0, 0, 1, 1], [], []>, precision = #tpu.contract_precision<fp32>, transpose_lhs_hint = false} : vector<1024x128xf32>, vector<128x128xf32>, vector<1024x128xf32> -> vector<1024x128xf32>
    %get3A_6 = arith.constant 0 : index
    %get3A_7 = arith.constant 0 : index
    %get3A_8 = vector.load %arg3[%get3A_6, %get3A_7] : memref<1024x1xf32, #tpu.memory_space<vmem>>, vector<1024x1xf32>
    %mul3A = vector.broadcast %get3A_8 : vector<1024x1xf32> to vector<1024x128xf32>
    %mul3A_9 = arith.mulf %dot_general3A_5, %mul3A : vector<1024x128xf32>
    %swap3A = arith.constant 0 : index
    %swap3A_10 = arith.constant 0 : index
    %swap3A_11 = vector.load %arg4[%swap3A, %swap3A_10] : memref<1024x128xf32, #tpu.memory_space<vmem>>, vector<1024x128xf32>
    tpu.vector_store %arg4[%swap3A, %swap3A_10], %mul3A_9 {strides = array<i32>} : memref<1024x128xf32, #tpu.memory_space<vmem>>, vector<1024x128xf32>,
    return
  }
  func.func @transform_0(%arg0: i32) -> (i32, i32) {
    %c0_i32 = arith.constant 0 : i32
    %c0_i32_0 = arith.constant 0 : i32
    return %arg0, %c0_i32 : i32, i32
  }
  func.func @transform_1(%arg0: i32) -> (i32, i32) {
    %c0_i32 = arith.constant 0 : i32
    %c0_i32_0 = arith.constant 0 : i32
    %c0_i32_1 = arith.constant 0 : i32
    return %c0_i32, %c0_i32_0 : i32, i32
  }
  func.func @transform_2(%arg0: i32) -> (i32, i32) {
    %c0_i32 = arith.constant 0 : i32
    %c0_i32_0 = arith.constant 0 : i32
    return %arg0, %c0_i32 : i32, i32
  }
  func.func @transform_3(%arg0: i32) -> (i32, i32) {
    %c0_i32 = arith.constant 0 : i32
    %c0_i32_0 = arith.constant 0 : i32
    return %arg0, %c0_i32 : i32, i32
  }
}

module attributes {stable_mosaic.version = 14 : i64} {
  func.func @body(%arg0: i32, %arg1: memref<2x1024x128xf32, #tpu.memory_space<vmem>>, %arg2: memref<1024x1xf32, #tpu.memory_space<vmem>>, %arg3: memref<1x128xf32, #tpu.memory_space<vmem>>, %arg4: memref<128x128xf32, #tpu.memory_space<vmem>>, %arg5: memref<1024x1xf32, #tpu.memory_space<vmem>>, %arg6: memref<1024x128xf32, #tpu.memory_space<vmem>>) attributes {dimension_semantics = [#tpu.dimension_semantics<arbitrary>], iteration_bounds = array<i64: 10>, scalar_prefetch = 0 : i64, scratch_operands = 0 : i64, tpu.core_type = #tpu.core_type<tc>, window_params = [{transform_indices = @transform_0, window_bounds = array<i64: 2, 1024, 128>}, {transform_indices = @transform_1, window_bounds = array<i64: 1024, 1>}, {pipeline_mode = #tpu.pipeline_mode<synchronous>, transform_indices = @transform_2, window_bounds = array<i64: 1, 128>}, {pipeline_mode = #tpu.pipeline_mode<synchronous>, transform_indices = @transform_3, window_bounds = array<i64: 128, 128>}, {transform_indices = @transform_4, window_bounds = array<i64: 1024, 1>}, {transform_indices = @transform_5, window_bounds = array<i64: 1024, 128>}]} {
    %get3A = arith.constant 0 : index
    %get3A_0 = arith.constant 0 : index
    %get3A_1 = arith.constant 0 : index
    %get3A_2 = vector.load %arg1[%get3A, %get3A_0, %get3A_1] : memref<2x1024x128xf32, #tpu.memory_space<vmem>>, vector<1x1024x128xf32>
    %get3A_3 = vector.shape_cast %get3A_2 : vector<1x1024x128xf32> to vector<1024x128xf32>
    %get3A_4 = arith.constant 1 : index
    %get3A_5 = arith.constant 0 : index
    %get3A_6 = arith.constant 0 : index
    %get3A_7 = vector.load %arg1[%get3A_4, %get3A_5, %get3A_6] : memref<2x1024x128xf32, #tpu.memory_space<vmem>>, vector<1x1024x128xf32>
    %get3A_8 = vector.shape_cast %get3A_7 : vector<1x1024x128xf32> to vector<1024x128xf32>
    %add3A = arith.addf %get3A_3, %get3A_8 : vector<1024x128xf32>
    %get3A_9 = arith.constant 0 : index
    %get3A_10 = arith.constant 0 : index
    %get3A_11 = vector.load %arg2[%get3A_9, %get3A_10] : memref<1024x1xf32, #tpu.memory_space<vmem>>, vector<1024x1xf32>
    %mul3A = vector.broadcast %get3A_11 : vector<1024x1xf32> to vector<1024x128xf32>
    %mul3A_12 = arith.mulf %add3A, %mul3A : vector<1024x128xf32>
    %get3A_13 = arith.constant 0 : index
    %get3A_14 = arith.constant 0 : index
    %get3A_15 = vector.load %arg3[%get3A_13, %get3A_14] : memref<1x128xf32, #tpu.memory_space<vmem>>, vector<1x128xf32>
    %add3A_16 = vector.broadcast %get3A_15 : vector<1x128xf32> to vector<1024x128xf32>
    %add3A_17 = arith.addf %mul3A_12, %add3A_16 : vector<1024x128xf32>
    %max3A = arith.constant 0.000000e+00 : f32
    %max3A_18 = vector.broadcast %max3A : f32 to vector<1024x128xf32>
    %max3A_19 = arith.maximumf %add3A_17, %max3A_18 : vector<1024x128xf32>
    %get3A_20 = arith.constant 0 : index
    %get3A_21 = arith.constant 0 : index
    %get3A_22 = vector.load %arg4[%get3A_20, %get3A_21] : memref<128x128xf32, #tpu.memory_space<vmem>>, vector<128x128xf32>
    %dot_general3A = arith.constant dense<0.000000e+00> : vector<1024x128xf32>
    %dot_general3A_23 = tpu.matmul %max3A_19, %get3A_22, %dot_general3A {dimension_numbers = #tpu.dot_dimension_numbers<[1], [0], [0], [1], [0, 0, 1, 1], [], []>, precision = #tpu.contract_precision<fp32>, transpose_lhs_hint = false} : vector<1024x128xf32>, vector<128x128xf32>, vector<1024x128xf32> -> vector<1024x128xf32>
    %get3A_24 = arith.constant 0 : index
    %get3A_25 = arith.constant 0 : index
    %get3A_26 = vector.load %arg5[%get3A_24, %get3A_25] : memref<1024x1xf32, #tpu.memory_space<vmem>>, vector<1024x1xf32>
    %mul3A_27 = vector.broadcast %get3A_26 : vector<1024x1xf32> to vector<1024x128xf32>
    %mul3A_28 = arith.mulf %dot_general3A_23, %mul3A_27 : vector<1024x128xf32>
    %swap3A = arith.constant 0 : index
    %swap3A_29 = arith.constant 0 : index
    %swap3A_30 = vector.load %arg6[%swap3A, %swap3A_29] : memref<1024x128xf32, #tpu.memory_space<vmem>>, vector<1024x128xf32>
    tpu.vector_store %arg6[%swap3A, %swap3A_29], %mul3A_28 {strides = array<i32>} : memref<1024x128xf32, #tpu.memory_space<vmem>>, vector<1024x128xf32>,
    return
  }
  func.func @transform_0(%arg0: i32) -> (i32, i32, i32) {
    %c0_i32 = arith.constant 0 : i32
    %c0_i32_0 = arith.constant 0 : i32
    %c0_i32_1 = arith.constant 0 : i32
    return %c0_i32, %arg0, %c0_i32_0 : i32, i32, i32
  }
  func.func @transform_1(%arg0: i32) -> (i32, i32) {
    %c0_i32 = arith.constant 0 : i32
    %c0_i32_0 = arith.constant 0 : i32
    return %arg0, %c0_i32 : i32, i32
  }
  func.func @transform_2(%arg0: i32) -> (i32, i32) {
    %c0_i32 = arith.constant 0 : i32
    %c0_i32_0 = arith.constant 0 : i32
    %c0_i32_1 = arith.constant 0 : i32
    return %c0_i32, %c0_i32_0 : i32, i32
  }
  func.func @transform_3(%arg0: i32) -> (i32, i32) {
    %c0_i32 = arith.constant 0 : i32
    %c0_i32_0 = arith.constant 0 : i32
    %c0_i32_1 = arith.constant 0 : i32
    return %c0_i32, %c0_i32_0 : i32, i32
  }
  func.func @transform_4(%arg0: i32) -> (i32, i32) {
    %c0_i32 = arith.constant 0 : i32
    %c0_i32_0 = arith.constant 0 : i32
    return %arg0, %c0_i32 : i32, i32
  }
  func.func @transform_5(%arg0: i32) -> (i32, i32) {
    %c0_i32 = arith.constant 0 : i32
    %c0_i32_0 = arith.constant 0 : i32
    return %arg0, %c0_i32 : i32, i32
  }
}

module attributes {stable_mosaic.version = 14 : i64} {
  func.func @body(%arg0: i32, %arg1: memref<2x1024x128xf32, #tpu.memory_space<vmem>>, %arg2: memref<1024x1xf32, #tpu.memory_space<vmem>>, %arg3: memref<1x128xf32, #tpu.memory_space<vmem>>, %arg4: memref<128x1xf32, #tpu.memory_space<vmem>>, %arg5: memref<1x1xf32, #tpu.memory_space<vmem>>, %arg6: memref<1x1xf32, #tpu.memory_space<vmem>>, %arg7: memref<1x128xf32, #tpu.memory_space<vmem>>) attributes {dimension_semantics = [#tpu.dimension_semantics<arbitrary>], iteration_bounds = array<i64: 10>, scalar_prefetch = 0 : i64, scratch_operands = 1 : i64, tpu.core_type = #tpu.core_type<tc>, window_params = [{transform_indices = @transform_0, window_bounds = array<i64: 2, 1024, 128>}, {transform_indices = @transform_1, window_bounds = array<i64: 1024, 1>}, {pipeline_mode = #tpu.pipeline_mode<synchronous>, transform_indices = @transform_2, window_bounds = array<i64: 1, 128>}, {pipeline_mode = #tpu.pipeline_mode<synchronous>, transform_indices = @transform_3, window_bounds = array<i64: 128, 1>}, {pipeline_mode = #tpu.pipeline_mode<synchronous>, transform_indices = @transform_4, window_bounds = array<i64: 1, 1>}, {pipeline_mode = #tpu.pipeline_mode<synchronous>, transform_indices = @transform_5, window_bounds = array<i64: 1, 1>}]} {
    %get3A = arith.constant 0 : index
    %get3A_0 = arith.constant 0 : index
    %get3A_1 = arith.constant 0 : index
    %get3A_2 = vector.load %arg1[%get3A, %get3A_0, %get3A_1] : memref<2x1024x128xf32, #tpu.memory_space<vmem>>, vector<1x1024x128xf32>
    %get3A_3 = vector.shape_cast %get3A_2 : vector<1x1024x128xf32> to vector<1024x128xf32>
    %get3A_4 = arith.constant 1 : index
    %get3A_5 = arith.constant 0 : index
    %get3A_6 = arith.constant 0 : index
    %get3A_7 = vector.load %arg1[%get3A_4, %get3A_5, %get3A_6] : memref<2x1024x128xf32, #tpu.memory_space<vmem>>, vector<1x1024x128xf32>
    %get3A_8 = vector.shape_cast %get3A_7 : vector<1x1024x128xf32> to vector<1024x128xf32>
    %add3A = arith.addf %get3A_3, %get3A_8 : vector<1024x128xf32>
    %get3A_9 = arith.constant 0 : index
    %get3A_10 = arith.constant 0 : index
    %get3A_11 = vector.load %arg2[%get3A_9, %get3A_10] : memref<1024x1xf32, #tpu.memory_space<vmem>>, vector<1024x1xf32>
    %mul3A = vector.broadcast %get3A_11 : vector<1024x1xf32> to vector<1024x128xf32>
    %mul3A_12 = arith.mulf %add3A, %mul3A : vector<1024x128xf32>
    %get3A_13 = arith.constant 0 : index
    %get3A_14 = arith.constant 0 : index
    %get3A_15 = vector.load %arg3[%get3A_13, %get3A_14] : memref<1x128xf32, #tpu.memory_space<vmem>>, vector<1x128xf32>
    %add3A_16 = vector.broadcast %get3A_15 : vector<1x128xf32> to vector<1024x128xf32>
    %add3A_17 = arith.addf %mul3A_12, %add3A_16 : vector<1024x128xf32>
    %max3A = arith.constant 0.000000e+00 : f32
    %max3A_18 = vector.broadcast %max3A : f32 to vector<1024x128xf32>
    %max3A_19 = arith.maximumf %add3A_17, %max3A_18 : vector<1024x128xf32>
    %iota3A = tpu.iota {dimensions = array<i32: 0>} : vector<1024x128xi32>
    %mul3A_20 = arith.constant 1024 : i32
    %mul3A_21 = arith.muli %arg0, %mul3A_20 : i32
    %add3A_22 = vector.broadcast %mul3A_21 : i32 to vector<1024x128xi32>
    %add3A_23 = arith.addi %iota3A, %add3A_22 : vector<1024x128xi32>
    %lt3A = arith.constant 10000 : i32
    %lt3A_24 = vector.broadcast %lt3A : i32 to vector<1024x128xi32>
    %lt3A_25 = arith.cmpi slt, %add3A_23, %lt3A_24 : vector<1024x128xi32>
    %jit3A = arith.constant 0.000000e+00 : f32
    %broadcast_in_dim3A = vector.broadcast %jit3A : f32 to vector<1024x128xf32>
    %select_n3A = arith.select %lt3A_25, %max3A_19, %broadcast_in_dim3A : vector<1024x128xi1>, vector<1024x128xf32>
    %reduce_sum3A = arith.constant dense<0.000000e+00> : vector<128xf32>
    %reduce_sum3A_26 = vector.multi_reduction <add>, %select_n3A, %reduce_sum3A [0] : vector<1024x128xf32> to vector<128xf32>
    %broadcast_in_dim3A_27 = vector.shape_cast %reduce_sum3A_26 : vector<128xf32> to vector<1x128xf32>
    %eq3A = arith.constant 0 : i32
    %eq3A_28 = arith.cmpi eq, %arg0, %eq3A : i32
    %convert_element_type3A = arith.extui %eq3A_28 : i1 to i32
    %cond3A = arith.constant 0 : i32
    %cond3A_29 = arith.cmpi ne, %convert_element_type3A, %cond3A : i32
    scf.if %cond3A_29 {
      %swap3A = arith.constant 0 : index
      %swap3A_39 = arith.constant 0 : index
      %swap3A_40 = vector.load %arg7[%swap3A, %swap3A_39] : memref<1x128xf32, #tpu.memory_space<vmem>>, vector<1x128xf32>
      tpu.vector_store %arg7[%swap3A, %swap3A_39], %broadcast_in_dim3A_27 {strides = array<i32>} : memref<1x128xf32, #tpu.memory_space<vmem>>, vector<1x128xf32>,
    } else {
    }
    %gt3A = arith.constant 0 : i32
    %gt3A_30 = arith.cmpi sgt, %arg0, %gt3A : i32
    %convert_element_type3A_31 = arith.extui %gt3A_30 : i1 to i32
    %cond3A_32 = arith.constant 0 : i32
    %cond3A_33 = arith.cmpi ne, %convert_element_type3A_31, %cond3A_32 : i32
    scf.if %cond3A_33 {
      %get3A_39 = arith.constant 0 : index
      %get3A_40 = arith.constant 0 : index
      %get3A_41 = vector.load %arg7[%get3A_39, %get3A_40] : memref<1x128xf32, #tpu.memory_space<vmem>>, vector<1x128xf32>
      %add3A_42 = arith.addf %get3A_41, %broadcast_in_dim3A_27 : vector<1x128xf32>
      %swap3A = arith.constant 0 : index
      %swap3A_43 = arith.constant 0 : index
      %swap3A_44 = vector.load %arg7[%swap3A, %swap3A_43] : memref<1x128xf32, #tpu.memory_space<vmem>>, vector<1x128xf32>
      tpu.vector_store %arg7[%swap3A, %swap3A_43], %add3A_42 {strides = array<i32>} : memref<1x128xf32, #tpu.memory_space<vmem>>, vector<1x128xf32>,
    } else {
    }
    %eq3A_34 = arith.constant 9 : i32
    %eq3A_35 = arith.cmpi eq, %arg0, %eq3A_34 : i32
    %convert_element_type3A_36 = arith.extui %eq3A_35 : i1 to i32
    %cond3A_37 = arith.constant 0 : i32
    %cond3A_38 = arith.cmpi ne, %convert_element_type3A_36, %cond3A_37 : i32
    scf.if %cond3A_38 {
      %get3A_39 = arith.constant 0 : index
      %get3A_40 = arith.constant 0 : index
      %get3A_41 = vector.load %arg7[%get3A_39, %get3A_40] : memref<1x128xf32, #tpu.memory_space<vmem>>, vector<1x128xf32>
      %mul3A_42 = arith.constant 9.99999974E-5 : f32
      %mul3A_43 = vector.broadcast %mul3A_42 : f32 to vector<1x128xf32>
      %mul3A_44 = arith.mulf %get3A_41, %mul3A_43 : vector<1x128xf32>
      %get3A_45 = arith.constant 0 : index
      %get3A_46 = arith.constant 0 : index
      %get3A_47 = vector.load %arg4[%get3A_45, %get3A_46] : memref<128x1xf32, #tpu.memory_space<vmem>>, vector<128x1xf32>
      %dot_general3A = arith.constant dense<0.000000e+00> : vector<1x1xf32>
      %dot_general3A_48 = tpu.matmul %mul3A_44, %get3A_47, %dot_general3A {dimension_numbers = #tpu.dot_dimension_numbers<[1], [0], [0], [1], [0, 0, 1, 1], [], []>, precision = #tpu.contract_precision<fp32>, transpose_lhs_hint = false} : vector<1x128xf32>, vector<128x1xf32>, vector<1x1xf32> -> vector<1x1xf32>
      %get3A_49 = arith.constant 0 : index
      %get3A_50 = arith.constant 0 : index
      %get3A_51 = vector.load %arg5[%get3A_49, %get3A_50] : memref<1x1xf32, #tpu.memory_space<vmem>>, vector<1x1xf32>
      %add3A_52 = arith.addf %dot_general3A_48, %get3A_51 : vector<1x1xf32>
      %swap3A = arith.constant 0 : index
      %swap3A_53 = arith.constant 0 : index
      %swap3A_54 = vector.load %arg6[%swap3A, %swap3A_53] : memref<1x1xf32, #tpu.memory_space<vmem>>, vector<1x1xf32>
      tpu.vector_store %arg6[%swap3A, %swap3A_53], %add3A_52 {strides = array<i32>} : memref<1x1xf32, #tpu.memory_space<vmem>>, vector<1x1xf32>,
    } else {
    }
    return
  }
  func.func @transform_0(%arg0: i32) -> (i32, i32, i32) {
    %c0_i32 = arith.constant 0 : i32
    %c0_i32_0 = arith.constant 0 : i32
    %c0_i32_1 = arith.constant 0 : i32
    return %c0_i32, %arg0, %c0_i32_0 : i32, i32, i32
  }
  func.func @transform_1(%arg0: i32) -> (i32, i32) {
    %c0_i32 = arith.constant 0 : i32
    %c0_i32_0 = arith.constant 0 : i32
    return %arg0, %c0_i32 : i32, i32
  }
  func.func @transform_2(%arg0: i32) -> (i32, i32) {
    %c0_i32 = arith.constant 0 : i32
    %c0_i32_0 = arith.constant 0 : i32
    %c0_i32_1 = arith.constant 0 : i32
    return %c0_i32, %c0_i32_0 : i32, i32
  }
  func.func @transform_3(%arg0: i32) -> (i32, i32) {
    %c0_i32 = arith.constant 0 : i32
    %c0_i32_0 = arith.constant 0 : i32
    %c0_i32_1 = arith.constant 0 : i32
    return %c0_i32, %c0_i32_0 : i32, i32
  }
  func.func @transform_4(%arg0: i32) -> (i32, i32) {
    %c0_i32 = arith.constant 0 : i32
    %c0_i32_0 = arith.constant 0 : i32
    %c0_i32_1 = arith.constant 0 : i32
    return %c0_i32, %c0_i32_0 : i32, i32
  }
  func.func @transform_5(%arg0: i32) -> (i32, i32) {
    %c0_i32 = arith.constant 0 : i32
    %c0_i32_0 = arith.constant 0 : i32
    %c0_i32_1 = arith.constant 0 : i32
    return %c0_i32, %c0_i32_0 : i32, i32
  }
}

</mosaic_0001>

<sc_bundles>
// kernel: kernel.12.cloned.1.call-start
scs
__scs_entry_jumppad:
0x0: {  	(pc) =	sbr.rel $0x88, $3  }
0x1: {  	(tag) =	ssettag $0x0;
	lr =	simm.s32 $0x1  }
0x2: {  	[smem:$0x3F99] =	sst lr;
	_ =	strace $0xD0000000  }
0x3: {  	_ = 	snop  }
0x4: {  	_ = 	snop  }
0x5: {  	_ = 	snop  }
0x6: {  	_ = 	snop  }
0x7: {  	_ = 	snop  }
__scs_overlays_trampoline_lowered:
0x8: {  	[smem:$0x3FA8] =	sst s0  }
0x9: {  	[smem:$0x3FA9] =	sst s1  }
0xa: {  	[smem:$0x3FAA] =	sst s2  }
0xb: {  	[smem:$0x3FAB] =	sst s3  }
0xc: {  	[smem:$0x3FAC] =	sst s4  }
0xd: {  	[smem:$0x3FAD] =	sst s5  }
0xe: {  	[smem:$0x3FAE] =	sst s6  }
0xf: {  	[smem:$0x3FAF] =	sst s7  }
0x10: {  	[smem:$0x3FB0] =	sst s8  }
0x11: {  	[smem:$0x3FB1] =	sst s9;
	s0 =	simm.s32 @!p0 $0x0  }
0x12: {  	s1 =	sld [smem:$0x3F97];
	s0 =	simm.s32 @p0 $0x1  }
0x13: {  	[smem:$0x3FB2] =	sst s0;
	s0 =	simm.s32 @!p1 $0x0  }
0x14: {  	s2 =	sld [smem:$0x3F96];
	s0 =	simm.s32 @p1 $0x1  }
0x15: {  	[smem:$0x3FB3] =	sst s0;
	s0 =	simm.s32 @!p2 $0x0  }
0x16: {  	s3 =	sld [smem:$0x3FDB];
	s0 =	simm.s32 @p2 $0x1  }
0x17: {  	s4 =	simm.s32 $0x1BF5;
	[smem:$0x3FB5] =	sst s0  }
0x18: {  	s0 =	sld [smem:$0x3F98];
	_ =	swait.ge [sflag:s4], $0x0  }
0x19: {  	s7 =	sld [smem:$0x3F99]  }
0x1a: {  	s8 =	sadd.s32 $0xFFFFE003, lr  }
0x1b: {  	s9 =	sadd.s32 $0xFFFFFEF7, lr;
	s5 =	simm.s32 $0xFFFFFFFF;
	p2 =	slt.u32 s8, $0xFFFFF086  }
0x1c: {  	p1 =	slt.u32 s9, $0xF7A;
	s5 =	simm.s32 @!p2 $0x0  }
0x1d: {  	s5 =	simm.s32 @p1 $0x1;
	p0 =	seq.s32 s7, s2  }
0x1e: {  	s7 =	smul.u32 @!p0 $0xF7A, s2;
	p2 =	seq.s32 @!p0 s5, $0x0  }
0x1f: {  	s9 =	smul.u32 $0xF7A, s1;
	s8 =	simm.s32 @!p0 $0x1BF5;
	p2 =	por !p2, p0  }
0x20: {  	[sflag:s8] =	ssyncset.s32 @!p0 $0xFFFFF086;
	s6 =	sadd.s32 @!p0 s3, s7;
	s7 =	simm.s32 @!p0 $0x108  }
0x21: {  	s3 =	sadd.s32 s3, s9;
	s6 =	sadd.s32 @!p0 $0x88, s6;
	s7 =	simm.s32 @p2 $0x1082  }
0x22: {  	[simem:s7], [sflag:s8] =	dma.local @!p0 [hbm:s6], $0xF7A  }
0x23: {  	s9 =	sor.u32 $0xD0000000, s2;
	s6 =	simm.s32 $0x108;
	_ =	swait.ge @!p0 [sflag:s8], $0x0  }
0x24: {  	s3 =	sadd.s32 $0x88, s3;
	s6 =	simm.s32 @!p1 $0x1082;
	[sflag:s4] =	ssyncset.s32 $0xFFFFF086  }
0x25: {  	[simem:s6], [sflag:s4] =	dma.local [hbm:s3], $0xF7A  }
0x26: {  	[smem:$0x3F99] =	sst s1;
	(tag) =	ssettag s2;
	_ =	strace s9  }
0x27: {  	s1 =	sld [smem:$0x3FA9]  }
0x28: {  	s2 =	sld [smem:$0x3FAA]  }
0x29: {  	s4 =	sld [smem:$0x3FAC]  }
0x2a: {  	p0 =	seq.s32 s5, $0x0;
	s5 =	sld [smem:$0x3FAD]  }
0x2b: {  	s6 =	sld [smem:$0x3FAE]  }
0x2c: {  	s7 =	sld [smem:$0x3FAF]  }
0x2d: {  	s3 =	simm.s32 $0x108;
	s8 =	sld [smem:$0x3FB0]  }
0x2e: {  	s3 =	simm.s32 @!p0 $0x1082;
	s9 =	sld [smem:$0x3FB1]  }
0x2f: {  	lr =	sadd.s32 s0, s3;
	s0 =	sld [smem:$0x3FA8]  }
0x30: {  	s3 =	sld [smem:$0x3FAB]  }
0x31: {  	[smem:$0x3FB4] =	sst s10  }
0x32: {  	s10 =	sld [smem:$0x3FB2];
	_ =	sdelay $0x3  }
0x33: {  	p0 =	seq.s32 s10, $0x1;
	s10 =	sld [smem:$0x3FB4];
	_ =	sdelay $0x3  }
0x34: {  	[smem:$0x3FB4] =	sst s10  }
0x35: {  	s10 =	sld [smem:$0x3FB3];
	_ =	sdelay $0x3  }
0x36: {  	p1 =	seq.s32 s10, $0x1;
	s10 =	sld [smem:$0x3FB4];
	_ =	sdelay $0x3  }
0x37: {  	[smem:$0x3FB4] =	sst s10  }
0x38: {  	s10 =	sld [smem:$0x3FB5]  }
0x39: {  	_ = 	snop;
	(pc) =	sbr.ind lr, $3  }
0x3a: {  	_ = 	snop  }
0x3b: {  	_ = 	snop  }
0x3c: {  	p2 =	seq.s32 s10, $0x1;
	s10 =	sld [smem:$0x3FB4]  }
0x3d: {  	_ =	shalt  }
0x3e: {  	_ =	shalt  }
0x3f: {  	_ =	shalt  }
0x40: {  	_ =	shalt  }
0x41: {  	_ =	shalt  }
0x42: {  	_ =	shalt  }
0x43: {  	_ =	shalt  }
0x44: {  	_ =	shalt  }
0x45: {  	_ =	shalt  }
0x46: {  	_ =	shalt  }
0x47: {  	_ =	shalt  }
0x48: {  	_ =	shalt  }
0x49: {  	_ =	shalt  }
0x4a: {  	_ =	shalt  }
0x4b: {  	_ =	shalt  }
0x4c: {  	_ =	shalt  }
0x4d: {  	_ =	shalt  }
0x4e: {  	_ =	shalt  }
0x4f: {  	_ =	shalt  }
0x50: {  	_ =	shalt  }
0x51: {  	_ =	shalt  }
0x52: {  	_ =	shalt  }
0x53: {  	_ =	shalt  }
0x54: {  	_ =	shalt  }
0x55: {  	_ =	shalt  }
0x56: {  	_ =	shalt  }
0x57: {  	_ =	shalt  }
0x58: {  	_ =	shalt  }
0x59: {  	_ =	shalt  }
0x5a: {  	_ =	shalt  }
0x5b: {  	_ =	shalt  }
0x5c: {  	_ =	shalt  }
0x5d: {  	_ =	shalt  }
0x5e: {  	_ =	shalt  }
0x5f: {  	_ =	shalt  }
0x60: {  	_ =	shalt  }
0x61: {  	_ =	shalt  }
0x62: {  	_ =	shalt  }
0x63: {  	_ =	shalt  }
0x64: {  	_ =	shalt  }
0x65: {  	_ =	shalt  }
0x66: {  	_ =	shalt  }
0x67: {  	_ =	shalt  }
0x68: {  	_ =	shalt  }
0x69: {  	_ =	shalt  }
0x6a: {  	_ =	shalt  }
0x6b: {  	_ =	shalt  }
0x6c: {  	_ =	shalt  }
0x6d: {  	_ =	shalt  }
0x6e: {  	_ =	shalt  }
0x6f: {  	_ =	shalt  }
0x70: {  	_ =	shalt  }
0x71: {  	_ =	shalt  }
0x72: {  	_ =	shalt  }
0x73: {  	_ =	shalt  }
0x74: {  	_ =	shalt  }
0x75: {  	_ =	shalt  }
0x76: {  	_ =	shalt  }
0x77: {  	_ =	shalt  }
0x78: {  	_ =	shalt  }
0x79: {  	_ =	shalt  }
0x7a: {  	_ =	shalt  }
0x7b: {  	_ =	shalt  }
0x7c: {  	_ =	shalt  }
0x7d: {  	_ =	shalt  }
0x7e: {  	_ =	shalt  }
0x7f: {  	_ =	shalt  }
0x80: {  	_ =	shalt  }
0x81: {  	_ =	shalt  }
0x82: {  	_ =	shalt  }
0x83: {  	_ =	shalt  }
0x84: {  	_ =	shalt  }
0x85: {  	_ =	shalt  }
0x86: {  	_ =	shalt  }
0x87: {  	_ =	shalt  }
.Lfunc_end0:
.L_simem_size_0:
called_computation.1_lowered:
.L_overlay_start_0:
0x88: {  	s2 =	sld [smem:$0x3FD9]  }
0x89: {  	s3 =	sld [smem:$0x3FFE];
	_ =	sdelay $0x1  }
0x8a: {  	s1 =	srdreg.scid  }
0x8b: {  	s0 =	sand.u32 $0x1, s1  }
0x8c: {  	s16 =	sshll.u32 s0, $0xA;
	s2 =	sadd.s32 s3, s2  }
0x8d: {  	s2 =	sadd.s32 s2, s16  }
0x8e: {  	[smem:$0x3FC0] =	sst s2  }
0x8f: {  	_ = 	snop  }
0x90: {  	(tm) =	ssettm $0x1  }
0x91: {  	s17 =	sld [smem:$0x3FFB];
	_ =	sdelay $0x3  }
0x92: {  	_ =	strace s17  }
0x93: {  	s2 =	sld [smem:$0x3FFC];
	_ =	sdelay $0x3  }
0x94: {  	_ =	strace s2  }
0x95: {  	s2 =	sld [smem:$0x3FFD];
	_ =	sdelay $0x3  }
0x96: {  	_ =	strace s2  }
0x97: {  	_ =	strace $0x8FFFFFFF  }
0x98: {  	s18 =	sld [smem:$0x3FDB];
	_ =	sdelay $0x1  }
0x99: {  	s19 =	simm.s32 $_scs_section_size  }
0x9a: {  	s4 =	simm.s32 $_size__tile_overlayer_lowered;
	s5 =	simm.s32 $_tile_overlayer_lowered  }
0x9b: {  	s22 =	simm.s32 $0x1BFF;
	s21 =	sshll.u32 s5, $0x1;
	s2 =	sadd.s32 s19, s18  }
0x9c: {  	s6 =	simm.s32 $0x0;
	s20 =	sshll.u32 s4, $0x1;
	s4 =	sadd.s32 s21, s2  }
0x9d: {  	[timem:s6], [sflag:s22] =	dma.local [hbm:s4], s20  }
0x9e: {  	_ =	swait.ge [sflag:s22], s20  }
0x9f: {  	s3 =	ssub.s32 $0x0, s20;
	[sflag:s22] =	ssyncset.done $0x0  }
0xa0: {  	[sflag:s22] =	ssyncadd.s32 s3;
	_ =	sdelay $0x1  }
0xa1: {  	s23 =	simm.s32 $0x1B8B  }
0xa2: {  	_ =	swait.ge [sflag:s23], $0x1  }
0xa3: {  	[sflag:s23] =	ssyncset.done $0x0  }
0xa4: {  	s25 =	simm.s32 $0x1B8E;
	s24 =	sld [smem:$0x3FFE];
	[sflag:s23] =	ssyncadd.s32 $0xFFFFFFFF  }
0xa5: {  	s26 =	simm.s32 $execute0_lowered;
	[smem:$0x3FD2] =	sst s25  }
0xa6: {  	s4 =	sshll.u32 s26, $0x1;
	_ =	strace $0x80000049;
	[dreg:$0x1] =	wrdreg $0xFFFFFFFF  }
0xa7: {  	s28 =	simm.s32 $_size_execute0_lowered;
	s2 =	sadd.s32 s2, s4;
	[dreg:$0x0] =	wrdreg $0x0  }
0xa8: {  	s4 =	sshll.u32 s28, $0x1;
	[dreg:$0x2] =	wrdreg s2  }
0xa9: {  	[dreg:$0x3] =	wrdreg s4  }
0xaa: {  	[dreg:$0x4] =	wrdreg $0xC0  }
0xab: {  	_ =	task [dreg:s6], $0x5FFFF  }
0xac: {  	[dreg:$0x1] =	wrdreg $0xFFFFFFFF  }
0xad: {  	[dreg:$0x0] =	wrdreg $0x60  }
0xae: {  	[dreg:$0x2] =	wrdreg s24  }
0xaf: {  	[dreg:$0x3] =	wrdreg $0x90000  }
0xb0: {  	[dreg:$0x4] =	wrdreg $0x9  }
0xb1: {  	_ =	task.clear_ibuf [dreg:s6], $0x5FFFF;
	_ =	strace $0x90000049  }
0xb2: {  	s29 =	simm.s32 $0x9;
	_ =	strace $0x8000004B  }
0xb3: {  	_ =	swait.ge [sflag:s29], $0x1  }
0xb4: {  	[sflag:s29] =	ssyncadd.s32 $0xFFFFFFFF  }
0xb5: {  	_ =	strace $0x9000004B  }
0xb6: {  	_ =	sfence  }
0xb7: {  	s30 =	sld [smem:$0x0];
	_ =	sdelay $0x2  }
0xb8: {  	s31 =	sshll.u32 s1, $0xD;
	s1 =	sshrl.u32 s1, $0x2  }
0xb9: {  	s3 =	sand.u32 $0x4000, s31;
	s1 =	sadd.s32 s1, s30  }
0xba: {  	s0 =	sor.u32 s3, s0;
	s1 =	sshll.u32 s1, $0x11  }
0xbb: {  	s0 =	sor.u32 s1, s0  }
0xbc: {  	s0 =	sadd.s32 $0x8F2B, s0  }
0xbd: {  	[sflag:s0] =	ssyncadd.remote.s32 $0x1  }
0xbe: {  	_ =	sfence.sel $0xFFFF  }
0xbf: {  	[dreg:$0x0] =	wrdreg $0xFFFFFFFF;
	(pc) =	sbr.abs _section_cstart, $3  }
0xc0: {  	[dreg:$0x1] =	wrdreg $0xFFFFFFFF  }
0xc1: {  	_ =	task.clear_ibuf [dreg:s6], $0x2FFFF;
	_ =	strace $0x9FFFFFFF  }
0xc2: {  	(tm) =	ssettm $0x7FFFFFFF  }
0xc3: {  	_ =	shalt  }
tec
execute0_lowered:
.L_overlay_start_1:
0x0: {  	(tag) =	ssettag $0x1  }
0x1: {  	s5 =	rddreg [dreg:$0x0]  }
0x2: {  	s1 =	srdreg.scid;
	s0 =	stileid.u32  }
0x3: {  	s2 =	rddreg [dreg:$0x1];
	s3 =	simm.s32 $0x0;
	s28 =	simm.s32 $0x0  }
0x4: {  	s6 =	sand.u32 $0x1, s1;
	s4 =	sshll.u32 s0, $0x1;
	s16 =	smul.u32 $0x280, s0  }
0x5: {  	[smem:$0x7FF] =	sst s3;
	s9 =	smul.u32 $0x50000, s0;
	s18 =	sadd.s32 $0x3DE00, s5  }
0x6: {  	s4 =	sor.u32 s6, s4;
	_ =	strace $0x8000004A;
	s17 =	smul.u32 $0x2800, s6  }
0x7: {  	s8 =	ssub.s32 $0x2, s6;
	s7 =	smul.u32 $0x500, s4;
	s4 =	sadd.s32 $0x15E00, s5  }
0x8: {  	s22 =	sshrl.u32 s8, $0x1;
	s24 =	sshrl.u32 s9, $0x2;
	s14 =	sadd.s32 $0x80, s16  }
0x9: {  	s19 =	sadd.s32 $0x100, s16;
	s29 =	sadd.s32 $0x180, s16;
	s10 =	ssub.s32 s8, s22  }
0xa: {  	s23 =	sadd.s32 s17, s16;
	s15 =	sshll.u32 s14, $0x7;
	s14 =	sadd.s32 s17, s14  }
0xb: {  	s26 =	sadd.s32 s17, s19;
	s19 =	sshll.u32 s19, $0x7;
	s20 =	sshll.u32 s29, $0x7  }
0xc: {  	s21 =	sadd.s32 s7, s5;
	s25 =	sshll.u32 s23, $0x4;
	s7 =	sadd.s32 s24, s2  }
0xd: {  	s9 =	smax.u32 s10, $0x1;
	s22 =	sadd.s32 s15, s2;
	s14 =	sshll.u32 s14, $0x4  }
0xe: {  	s15 =	sshll.u32 s26, $0x4;
	s23 =	sadd.s32 s19, s2;
	s19 =	sadd.s32 s17, s29  }
0xf: {  	s24 =	sadd.s32 s20, s2;
	s20 =	simm.s32 $0x5000;
	s26 =	simm.s32 $0x1  }
0x10: {  	s5 =	sadd.s32 $0xBE00, s21;
	s6 =	sadd.s32 $0x1E00, s21;
	s8 =	sadd.s32 s18, s25  }
0x11: {  	s10 =	sadd.s32 $0x4000, s7;
	s11 =	sadd.s32 $0x8000, s7;
	s12 =	sadd.s32 $0xC000, s7  }
0x12: {  	s13 =	sadd.s32 $0x10000, s7;
	s14 =	sadd.s32 s18, s14;
	s15 =	sadd.s32 s18, s15  }
0x13: {  	s21 =	sadd.s32 $0x200, s16;
	s30 =	sshll.u32 s19, $0x4;
	s19 =	simm.s32 $0x2800  }
0x14: {  	s22 =	sshrl.u32 s22, $0x3;
	s23 =	sshrl.u32 s23, $0x3;
	s24 =	sshrl.u32 s24, $0x3  }
0x15: {  	s17 =	sadd.s32 s17, s21;
	s16 =	sadd.s32 s18, s30;
	s31 =	sshll.u32 s21, $0x7  }
0x16: {  	s21 =	simm.s32 $0x80;
	s17 =	sshll.u32 s17, $0x4;
	s25 =	sadd.s32 s31, s2  }
0x17: {  	v0 =	vimm.f32 $0.0e+00;
	s17 =	sadd.s32 s18, s17;
	s18 =	simm.s32 $0x2;
	s25 =	sshrl.u32 s25, $0x3  }
.LBB2_1:
0x18: {  	[tilespmem:s3], [sflag:$0x2] =	stream.linear.gather [hbm4b:s5+s3], $0x2780, $0x38;
	[tilespmem:$0x1D000] =	vst v63  }
0x19: {  	_ =	swait.ge [sflag:s18], $0x2780  }
0x1a: {  	[sflag:s18] =	ssyncset.done $0x0  }
0x1b: {  	[sflag:s18] =	ssyncadd.s32 $0xFFFFD880  }
0x1c: {  	[tilespmem:s19], [sflag:$0x2] =	stream.linear.gather [hbm4b:s6+s3], $0x2780, $0x38;
	[tilespmem:$0x1D000] =	vst v63  }
0x1d: {  	_ =	swait.ge [sflag:s18], $0x2780  }
0x1e: {  	[sflag:s18] =	ssyncset.done $0x0  }
0x1f: {  	s29 =	simm.s32 $0x0;
	s30 =	simm.s32 $0x200;
	[sflag:s18] =	ssyncadd.s32 $0xFFFFD880  }
.LBB2_2:
0x20: {  	p0 =	sne.s32 s30, $0xFE00;
	[tilespmem:s29+$0x5070] =	vst v0  }
0x21: {  	[tilespmem:s29+$0x5000] =	vst v0  }
0x22: {  	[tilespmem:s29+$0x5010] =	vst v0  }
.Ltmp0:
0x23: {  	[tilespmem:s29+$0x5020] =	vst v0;
	(pc) =	sbr.rel @p0 .LBB2_2-.Ltmp0, $4  }
0x24: {  	[tilespmem:s29+$0x5030] =	vst v0  }
0x25: {  	[tilespmem:s29+$0x5040] =	vst v0  }
0x26: {  	[tilespmem:s29+$0x5050] =	vst v0  }
0x27: {  	[tilespmem:s29+$0x5060] =	vst v0;
	s29 =	sshra.s32 s30, $0x2;
	s30 =	sadd.s32 $0x200, s30  }
0x28: {  	[tilespmem:s29+$0x5070] =	vst v0  }
0x29: {  	[tilespmem:s29+$0x5000] =	vst v0  }
0x2a: {  	[tilespmem:s29+$0x5010] =	vst v0  }
0x2b: {  	[tilespmem:s29+$0x5020] =	vst v0  }
0x2c: {  	[tilespmem:s29+$0x5030] =	vst v0  }
0x2d: {  	[tilespmem:s29+$0x5040] =	vst v0  }
0x2e: {  	[tilespmem:s29+$0x5050] =	vst v0  }
0x2f: {  	[tilespmem:s29+$0x5060] =	vst v0  }
0x30: {  	[spmem:s7] =	stream.linear.scatter [tilespmem:s20], [sflag:$0x2], $0x4000, $0x38;
	[tilespmem:$0x1D000] =	vst v63  }
0x31: {  	_ =	swait.ge [sflag:s18], $0x4000  }
0x32: {  	[sflag:s18] =	ssyncset.done $0x0  }
0x33: {  	[sflag:s18] =	ssyncadd.s32 $0xFFFFC000  }
0x34: {  	[spmem:s10] =	stream.linear.scatter [tilespmem:s20], [sflag:$0x2], $0x4000, $0x38;
	[tilespmem:$0x1D000] =	vst v63  }
0x35: {  	_ =	swait.ge [sflag:s18], $0x4000  }
0x36: {  	[sflag:s18] =	ssyncset.done $0x0  }
0x37: {  	[sflag:s18] =	ssyncadd.s32 $0xFFFFC000  }
0x38: {  	[spmem:s11] =	stream.linear.scatter [tilespmem:s20], [sflag:$0x2], $0x4000, $0x38;
	[tilespmem:$0x1D000] =	vst v63  }
0x39: {  	_ =	swait.ge [sflag:s18], $0x4000  }
0x3a: {  	[sflag:s18] =	ssyncset.done $0x0  }
0x3b: {  	[sflag:s18] =	ssyncadd.s32 $0xFFFFC000  }
0x3c: {  	[spmem:s12] =	stream.linear.scatter [tilespmem:s20], [sflag:$0x2], $0x4000, $0x38;
	[tilespmem:$0x1D000] =	vst v63  }
0x3d: {  	_ =	swait.ge [sflag:s18], $0x4000  }
0x3e: {  	[sflag:s18] =	ssyncset.done $0x0  }
0x3f: {  	[sflag:s18] =	ssyncadd.s32 $0xFFFFC000  }
0x40: {  	[spmem:s13] =	stream.linear.scatter [tilespmem:s20], [sflag:$0x2], $0x4000, $0x38;
	[tilespmem:$0x1D000] =	vst v63  }
0x41: {  	_ =	swait.ge [sflag:s18], $0x4000  }
0x42: {  	[sflag:s18] =	ssyncset.done $0x0  }
0x43: {  	[sflag:s18] =	ssyncadd.s32 $0xFFFFC000  }
0x44: {  	s29 =	simm.s32 $0x0;
	[bflag:$0x0] =	sbarrier.arrive $0xFFFF  }
0x45: {  	[tilespmem:s20], [sflag:$0x1] =	stream.indirect.gather [hbm4b:s4+s21], $0x80, s29, s21, $0xb8;
	[tilespmem:$0x1D000] =	vst v63  }
0x46: {  	_ =	swait.ge [sflag:s26], $0x4000  }
0x47: {  	[sflag:s26] =	ssyncset.done $0x0  }
0x48: {  	s29 =	simm.s32 $0x2800;
	[sflag:s26] =	ssyncadd.s32 $0xFFFFC000  }
0x49: {  	[spmem:s2] =	stream.indirect.scatter.add.f32 [tilespmem:s20], [sflag:$0x2], $0x80, s29, s21, $0xb8;
	[tilespmem:$0x1D000] =	vst v63  }
0x4a: {  	_ =	swait.ge [sflag:s18], $0x4000  }
0x4b: {  	s30 =	simm.s32 $0x400;
	s29 =	simm.s32 $0x200;
	[sflag:s18] =	ssyncset.done $0x0  }
.LBB2_4:
0x4c: {  	s31 =	sshra.s32 s29, $0x2  }
0x4d: {  	[sflag:s18] =	ssyncadd.s32 $0xFFFFC000;
	s29 =	smov.u32 s30;
	s1 =	sadd.s32 $0x200, s30  }
0x4e: {  	[tilespmem:s20], [sflag:$0x1] =	stream.indirect.gather [hbm4b:s4+s21], $0x80, s31, s21, $0xb8;
	[tilespmem:$0x1D000] =	vst v63  }
0x4f: {  	p0 =	sne.s32 s30, $0x9C00;
	_ =	swait.ge [sflag:s26], $0x4000  }
.Ltmp1:
0x50: {  	[sflag:s26] =	ssyncset.done $0x0;
	(pc) =	sbr.rel @p0 .LBB2_4-.Ltmp1, $4  }
0x51: {  	s30 =	sadd.s32 $0x2800, s31;
	[sflag:s26] =	ssyncadd.s32 $0xFFFFC000  }
0x52: {  	[spmem:s2] =	stream.indirect.scatter.add.f32 [tilespmem:s20], [sflag:$0x2], $0x80, s30, s21, $0xb8;
	[tilespmem:$0x1D000] =	vst v63  }
0x53: {  	_ =	swait.ge [sflag:s18], $0x4000  }
0x54: {  	s30 =	smov.u32 s1;
	[sflag:s18] =	ssyncset.done $0x0  }
0x55: {  	s1 =	sshra.s32 s29, $0x2;
	[sflag:s18] =	ssyncadd.s32 $0xFFFFC000  }
0x56: {  	[tilespmem:s20], [sflag:$0x1] =	stream.indirect.gather [hbm4b:s4+s21], $0x80, s1, s21, $0xb8;
	[tilespmem:$0x1D000] =	vst v63  }
0x57: {  	_ =	swait.ge [sflag:s26], $0x4000  }
0x58: {  	[sflag:s26] =	ssyncset.done $0x0  }
0x59: {  	s1 =	sadd.s32 $0x2800, s1;
	[sflag:s26] =	ssyncadd.s32 $0xFFFFC000  }
0x5a: {  	[spmem:s2] =	stream.indirect.scatter.add.f32 [tilespmem:s20], [sflag:$0x2], $0x80, s1, s21, $0xb8;
	[tilespmem:$0x1D000] =	vst v63  }
0x5b: {  	_ =	swait.ge [sflag:s18], $0x4000  }
0x5c: {  	[sflag:s18] =	ssyncset.done $0x0  }
0x5d: {  	s30 =	sshll.u32 s0, $0x6;
	[sflag:s18] =	ssyncadd.s32 $0xFFFFC000  }
0x5e: {  	s31 =	sshrl.u32 s7, $0x3;
	s1 =	sor.u32 $0x1C02, s30;
	[bflag:$0x0] =	sbarrier.arrive $0xFFFF  }
0x5f: {  	[hbm:s8], [sflag:s1] =	dma.local [spmem:s31], $0x800  }
0x60: {  	_ =	swait.ge [sflag:s18], $0x800  }
0x61: {  	[sflag:s18] =	ssyncset.done $0x0  }
0x62: {  	[sflag:s18] =	ssyncadd.s32 $0xFFFFF800  }
0x63: {  	[hbm:s14], [sflag:s1] =	dma.local [spmem:s22], $0x800  }
0x64: {  	_ =	swait.ge [sflag:s18], $0x800  }
0x65: {  	[sflag:s18] =	ssyncset.done $0x0  }
0x66: {  	[sflag:s18] =	ssyncadd.s32 $0xFFFFF800  }
0x67: {  	[hbm:s15], [sflag:s1] =	dma.local [spmem:s23], $0x800  }
0x68: {  	_ =	swait.ge [sflag:s18], $0x800  }
0x69: {  	[sflag:s18] =	ssyncset.done $0x0  }
0x6a: {  	[sflag:s18] =	ssyncadd.s32 $0xFFFFF800  }
0x6b: {  	[hbm:s16], [sflag:s1] =	dma.local [spmem:s24], $0x800  }
0x6c: {  	s28 =	sadd.s32 $0x1, s28;
	_ =	swait.ge [sflag:s18], $0x800  }
0x6d: {  	p0 =	sne.s32 s28, s9;
	[sflag:s18] =	ssyncset.done $0x0  }
.Ltmp2:
0x6e: {  	[sflag:s18] =	ssyncadd.s32 $0xFFFFF800;
	(pc) =	sbr.rel @p0 .LBB2_1-.Ltmp2, $4  }
0x6f: {  	[hbm:s17], [sflag:s1] =	dma.local [spmem:s25], $0x800  }
0x70: {  	_ =	swait.ge [sflag:s18], $0x800  }
0x71: {  	[sflag:s18] =	ssyncset.done $0x0  }
0x72: {  	[sflag:s18] =	ssyncadd.s32 $0xFFFFF800  }
0x73: {  	_ =	sfence.sel $0x180000  }
0x74: {  	[bflag:$0x0] =	sbarrier.arrive $0xFFFF  }
0x75: {  	_ =	strace $0x9000004A  }
0x76: {  	[bflag:$0x2] =	sbarrier.arrive $0xFFFF  }
0x77: {  	p0 =	sne.s32 s0, $0x0;
	s0 =	rddreg [dreg:$0x2]  }
0x78: {  	s0 =	sadd.s32 @!p0 $0x100000, s0  }
0x79: {  	[sflag:s0] =	ssyncadd.tile.s32 @!p0 $0x1;
	_ =	shalt  }
.Lfunc_end2:
_tile_overlayer_lowered:
.L_overlay_start_2:
0x7a: {  	(tag) =	ssettag $0x2  }
0x7b: {  	s0 =	rddreg [dreg:$0x0];
	s2 =	stileid.u32  }
0x7c: {  	s1 =	rddreg [dreg:$0x1];
	p0 =	sne.s32 s2, $0x0  }
0x7d: {  	s3 =	rddreg [dreg:$0x2];
	[bflag:$0x3] =	sbarrier.arrive $0xFFFF;
	s2 =	simm.s32 @!p0 $0x1C02  }
0x7e: {  	[timem:s3], [sflag:s2] =	dma.local @!p0 [hbm:s0], s1  }
0x7f: {  	s0 =	simm.s32 @!p0 $0x2  }
0x80: {  	_ =	swait.ge @!p0 [sflag:s0], s1  }
0x81: {  	s1 =	ssub.s32 @!p0 $0x0, s1;
	[sflag:s0] =	ssyncset.done @!p0 $0x0  }
0x82: {  	[sflag:s0] =	ssyncadd.s32 @!p0 s1  }
0x83: {  	[bflag:$0x3] =	sbarrier.arrive $0xFFFF  }
0x84: {  	_ =	shalt  }

// kernel: kernel.15.cloned.1.call-start
scs
__scs_entry_jumppad:
0x0: {  	(pc) =	sbr.rel $0x88, $3  }
0x1: {  	(tag) =	ssettag $0x0;
	lr =	simm.s32 $0x1  }
0x2: {  	[smem:$0x3F99] =	sst lr;
	_ =	strace $0xD0000000  }
0x3: {  	_ = 	snop  }
0x4: {  	_ = 	snop  }
0x5: {  	_ = 	snop  }
0x6: {  	_ = 	snop  }
0x7: {  	_ = 	snop  }
__scs_overlays_trampoline_lowered:
0x8: {  	[smem:$0x3FA8] =	sst s0  }
0x9: {  	[smem:$0x3FA9] =	sst s1  }
0xa: {  	[smem:$0x3FAA] =	sst s2  }
0xb: {  	[smem:$0x3FAB] =	sst s3  }
0xc: {  	[smem:$0x3FAC] =	sst s4  }
0xd: {  	[smem:$0x3FAD] =	sst s5  }
0xe: {  	[smem:$0x3FAE] =	sst s6  }
0xf: {  	[smem:$0x3FAF] =	sst s7  }
0x10: {  	[smem:$0x3FB0] =	sst s8  }
0x11: {  	[smem:$0x3FB1] =	sst s9;
	s0 =	simm.s32 @!p0 $0x0  }
0x12: {  	s1 =	sld [smem:$0x3F97];
	s0 =	simm.s32 @p0 $0x1  }
0x13: {  	[smem:$0x3FB2] =	sst s0;
	s0 =	simm.s32 @!p1 $0x0  }
0x14: {  	s2 =	sld [smem:$0x3F96];
	s0 =	simm.s32 @p1 $0x1  }
0x15: {  	[smem:$0x3FB3] =	sst s0;
	s0 =	simm.s32 @!p2 $0x0  }
0x16: {  	s3 =	sld [smem:$0x3FDB];
	s0 =	simm.s32 @p2 $0x1  }
0x17: {  	s4 =	simm.s32 $0x1BF5;
	[smem:$0x3FB5] =	sst s0  }
0x18: {  	s0 =	sld [smem:$0x3F98];
	_ =	swait.ge [sflag:s4], $0x0  }
0x19: {  	s7 =	sld [smem:$0x3F99]  }
0x1a: {  	s8 =	sadd.s32 $0xFFFFE003, lr  }
0x1b: {  	s9 =	sadd.s32 $0xFFFFFEF7, lr;
	s5 =	simm.s32 $0xFFFFFFFF;
	p2 =	slt.u32 s8, $0xFFFFF086  }
0x1c: {  	p1 =	slt.u32 s9, $0xF7A;
	s5 =	simm.s32 @!p2 $0x0  }
0x1d: {  	s5 =	simm.s32 @p1 $0x1;
	p0 =	seq.s32 s7, s2  }
0x1e: {  	s7 =	smul.u32 @!p0 $0xF7A, s2;
	p2 =	seq.s32 @!p0 s5, $0x0  }
0x1f: {  	s9 =	smul.u32 $0xF7A, s1;
	s8 =	simm.s32 @!p0 $0x1BF5;
	p2 =	por !p2, p0  }
0x20: {  	[sflag:s8] =	ssyncset.s32 @!p0 $0xFFFFF086;
	s6 =	sadd.s32 @!p0 s3, s7;
	s7 =	simm.s32 @!p0 $0x108  }
0x21: {  	s3 =	sadd.s32 s3, s9;
	s6 =	sadd.s32 @!p0 $0x88, s6;
	s7 =	simm.s32 @p2 $0x1082  }
0x22: {  	[simem:s7], [sflag:s8] =	dma.local @!p0 [hbm:s6], $0xF7A  }
0x23: {  	s9 =	sor.u32 $0xD0000000, s2;
	s6 =	simm.s32 $0x108;
	_ =	swait.ge @!p0 [sflag:s8], $0x0  }
0x24: {  	s3 =	sadd.s32 $0x88, s3;
	s6 =	simm.s32 @!p1 $0x1082;
	[sflag:s4] =	ssyncset.s32 $0xFFFFF086  }
0x25: {  	[simem:s6], [sflag:s4] =	dma.local [hbm:s3], $0xF7A  }
0x26: {  	[smem:$0x3F99] =	sst s1;
	(tag) =	ssettag s2;
	_ =	strace s9  }
0x27: {  	s1 =	sld [smem:$0x3FA9]  }
0x28: {  	s2 =	sld [smem:$0x3FAA]  }
0x29: {  	s4 =	sld [smem:$0x3FAC]  }
0x2a: {  	p0 =	seq.s32 s5, $0x0;
	s5 =	sld [smem:$0x3FAD]  }
0x2b: {  	s6 =	sld [smem:$0x3FAE]  }
0x2c: {  	s7 =	sld [smem:$0x3FAF]  }
0x2d: {  	s3 =	simm.s32 $0x108;
	s8 =	sld [smem:$0x3FB0]  }
0x2e: {  	s3 =	simm.s32 @!p0 $0x1082;
	s9 =	sld [smem:$0x3FB1]  }
0x2f: {  	lr =	sadd.s32 s0, s3;
	s0 =	sld [smem:$0x3FA8]  }
0x30: {  	s3 =	sld [smem:$0x3FAB]  }
0x31: {  	[smem:$0x3FB4] =	sst s10  }
0x32: {  	s10 =	sld [smem:$0x3FB2];
	_ =	sdelay $0x3  }
0x33: {  	p0 =	seq.s32 s10, $0x1;
	s10 =	sld [smem:$0x3FB4];
	_ =	sdelay $0x3  }
0x34: {  	[smem:$0x3FB4] =	sst s10  }
0x35: {  	s10 =	sld [smem:$0x3FB3];
	_ =	sdelay $0x3  }
0x36: {  	p1 =	seq.s32 s10, $0x1;
	s10 =	sld [smem:$0x3FB4];
	_ =	sdelay $0x3  }
0x37: {  	[smem:$0x3FB4] =	sst s10  }
0x38: {  	s10 =	sld [smem:$0x3FB5]  }
0x39: {  	_ = 	snop;
	(pc) =	sbr.ind lr, $3  }
0x3a: {  	_ = 	snop  }
0x3b: {  	_ = 	snop  }
0x3c: {  	p2 =	seq.s32 s10, $0x1;
	s10 =	sld [smem:$0x3FB4]  }
0x3d: {  	_ =	shalt  }
0x3e: {  	_ =	shalt  }
0x3f: {  	_ =	shalt  }
0x40: {  	_ =	shalt  }
0x41: {  	_ =	shalt  }
0x42: {  	_ =	shalt  }
0x43: {  	_ =	shalt  }
0x44: {  	_ =	shalt  }
0x45: {  	_ =	shalt  }
0x46: {  	_ =	shalt  }
0x47: {  	_ =	shalt  }
0x48: {  	_ =	shalt  }
0x49: {  	_ =	shalt  }
0x4a: {  	_ =	shalt  }
0x4b: {  	_ =	shalt  }
0x4c: {  	_ =	shalt  }
0x4d: {  	_ =	shalt  }
0x4e: {  	_ =	shalt  }
0x4f: {  	_ =	shalt  }
0x50: {  	_ =	shalt  }
0x51: {  	_ =	shalt  }
0x52: {  	_ =	shalt  }
0x53: {  	_ =	shalt  }
0x54: {  	_ =	shalt  }
0x55: {  	_ =	shalt  }
0x56: {  	_ =	shalt  }
0x57: {  	_ =	shalt  }
0x58: {  	_ =	shalt  }
0x59: {  	_ =	shalt  }
0x5a: {  	_ =	shalt  }
0x5b: {  	_ =	shalt  }
0x5c: {  	_ =	shalt  }
0x5d: {  	_ =	shalt  }
0x5e: {  	_ =	shalt  }
0x5f: {  	_ =	shalt  }
0x60: {  	_ =	shalt  }
0x61: {  	_ =	shalt  }
0x62: {  	_ =	shalt  }
0x63: {  	_ =	shalt  }
0x64: {  	_ =	shalt  }
0x65: {  	_ =	shalt  }
0x66: {  	_ =	shalt  }
0x67: {  	_ =	shalt  }
0x68: {  	_ =	shalt  }
0x69: {  	_ =	shalt  }
0x6a: {  	_ =	shalt  }
0x6b: {  	_ =	shalt  }
0x6c: {  	_ =	shalt  }
0x6d: {  	_ =	shalt  }
0x6e: {  	_ =	shalt  }
0x6f: {  	_ =	shalt  }
0x70: {  	_ =	shalt  }
0x71: {  	_ =	shalt  }
0x72: {  	_ =	shalt  }
0x73: {  	_ =	shalt  }
0x74: {  	_ =	shalt  }
0x75: {  	_ =	shalt  }
0x76: {  	_ =	shalt  }
0x77: {  	_ =	shalt  }
0x78: {  	_ =	shalt  }
0x79: {  	_ =	shalt  }
0x7a: {  	_ =	shalt  }
0x7b: {  	_ =	shalt  }
0x7c: {  	_ =	shalt  }
0x7d: {  	_ =	shalt  }
0x7e: {  	_ =	shalt  }
0x7f: {  	_ =	shalt  }
0x80: {  	_ =	shalt  }
0x81: {  	_ =	shalt  }
0x82: {  	_ =	shalt  }
0x83: {  	_ =	shalt  }
0x84: {  	_ =	shalt  }
0x85: {  	_ =	shalt  }
0x86: {  	_ =	shalt  }
0x87: {  	_ =	shalt  }
.Lfunc_end0:
.L_simem_size_0:
called_computation.2_lowered:
.L_overlay_start_0:
0x88: {  	s2 =	sld [smem:$0x3FD9]  }
0x89: {  	s3 =	sld [smem:$0x3FFE];
	_ =	sdelay $0x1  }
0x8a: {  	s1 =	srdreg.scid  }
0x8b: {  	s0 =	sand.u32 $0x1, s1  }
0x8c: {  	s16 =	sshll.u32 s0, $0xA;
	s2 =	sadd.s32 s3, s2  }
0x8d: {  	s2 =	sadd.s32 s2, s16  }
0x8e: {  	[smem:$0x3FC0] =	sst s2  }
0x8f: {  	_ = 	snop  }
0x90: {  	(tm) =	ssettm $0x1  }
0x91: {  	s17 =	sld [smem:$0x3FFB];
	_ =	sdelay $0x3  }
0x92: {  	_ =	strace s17  }
0x93: {  	s2 =	sld [smem:$0x3FFC];
	_ =	sdelay $0x3  }
0x94: {  	_ =	strace s2  }
0x95: {  	s2 =	sld [smem:$0x3FFD];
	_ =	sdelay $0x3  }
0x96: {  	_ =	strace s2  }
0x97: {  	_ =	strace $0x8FFFFFFF  }
0x98: {  	s18 =	sld [smem:$0x3FDB];
	_ =	sdelay $0x1  }
0x99: {  	s19 =	simm.s32 $_scs_section_size  }
0x9a: {  	s4 =	simm.s32 $_size__tile_overlayer_lowered;
	s5 =	simm.s32 $_tile_overlayer_lowered  }
0x9b: {  	s22 =	simm.s32 $0x1BFF;
	s21 =	sshll.u32 s5, $0x1;
	s2 =	sadd.s32 s19, s18  }
0x9c: {  	s6 =	simm.s32 $0x0;
	s20 =	sshll.u32 s4, $0x1;
	s4 =	sadd.s32 s21, s2  }
0x9d: {  	[timem:s6], [sflag:s22] =	dma.local [hbm:s4], s20  }
0x9e: {  	_ =	swait.ge [sflag:s22], s20  }
0x9f: {  	s3 =	ssub.s32 $0x0, s20;
	[sflag:s22] =	ssyncset.done $0x0  }
0xa0: {  	[sflag:s22] =	ssyncadd.s32 s3;
	_ =	sdelay $0x1  }
0xa1: {  	s23 =	simm.s32 $0x1B8B  }
0xa2: {  	_ =	swait.ge [sflag:s23], $0x1  }
0xa3: {  	[sflag:s23] =	ssyncset.done $0x0  }
0xa4: {  	s25 =	simm.s32 $0x1B8E;
	s24 =	sld [smem:$0x3FFE];
	[sflag:s23] =	ssyncadd.s32 $0xFFFFFFFF  }
0xa5: {  	s26 =	simm.s32 $execute0_lowered;
	[smem:$0x3FD2] =	sst s25  }
0xa6: {  	s4 =	sshll.u32 s26, $0x1;
	_ =	strace $0x8000004C;
	[dreg:$0x1] =	wrdreg $0xFFFFFFFF  }
0xa7: {  	s28 =	simm.s32 $_size_execute0_lowered;
	s2 =	sadd.s32 s2, s4;
	[dreg:$0x0] =	wrdreg $0x0  }
0xa8: {  	s4 =	sshll.u32 s28, $0x1;
	[dreg:$0x2] =	wrdreg s2  }
0xa9: {  	[dreg:$0x3] =	wrdreg s4  }
0xaa: {  	[dreg:$0x4] =	wrdreg $0xC0  }
0xab: {  	_ =	task [dreg:s6], $0x5FFFF  }
0xac: {  	[dreg:$0x1] =	wrdreg $0xFFFFFFFF  }
0xad: {  	[dreg:$0x0] =	wrdreg $0x60  }
0xae: {  	[dreg:$0x2] =	wrdreg s24  }
0xaf: {  	[dreg:$0x3] =	wrdreg $0x90000  }
0xb0: {  	[dreg:$0x4] =	wrdreg $0x9  }
0xb1: {  	_ =	task.clear_ibuf [dreg:s6], $0x5FFFF;
	_ =	strace $0x9000004C  }
0xb2: {  	s29 =	simm.s32 $0x9;
	_ =	strace $0x8000004E  }
0xb3: {  	_ =	swait.ge [sflag:s29], $0x1  }
0xb4: {  	[sflag:s29] =	ssyncadd.s32 $0xFFFFFFFF  }
0xb5: {  	_ =	strace $0x9000004E  }
0xb6: {  	_ =	sfence  }
0xb7: {  	s30 =	sld [smem:$0x0];
	_ =	sdelay $0x2  }
0xb8: {  	s31 =	sshll.u32 s1, $0xD;
	s1 =	sshrl.u32 s1, $0x2  }
0xb9: {  	s3 =	sand.u32 $0x4000, s31;
	s1 =	sadd.s32 s1, s30  }
0xba: {  	s0 =	sor.u32 s3, s0;
	s1 =	sshll.u32 s1, $0x11  }
0xbb: {  	s0 =	sor.u32 s1, s0  }
0xbc: {  	s0 =	sadd.s32 $0x8F2B, s0  }
0xbd: {  	[sflag:s0] =	ssyncadd.remote.s32 $0x1  }
0xbe: {  	_ =	sfence.sel $0xFFFF  }
0xbf: {  	[dreg:$0x0] =	wrdreg $0xFFFFFFFF;
	(pc) =	sbr.abs _section_cstart, $3  }
0xc0: {  	[dreg:$0x1] =	wrdreg $0xFFFFFFFF  }
0xc1: {  	_ =	task.clear_ibuf [dreg:s6], $0x2FFFF;
	_ =	strace $0x9FFFFFFF  }
0xc2: {  	(tm) =	ssettm $0x7FFFFFFF  }
0xc3: {  	_ =	shalt  }
tec
execute0_lowered:
.L_overlay_start_1:
0x0: {  	(tag) =	ssettag $0x1  }
0x1: {  	s5 =	rddreg [dreg:$0x0]  }
0x2: {  	s1 =	srdreg.scid;
	s0 =	stileid.u32  }
0x3: {  	s2 =	rddreg [dreg:$0x1];
	s3 =	simm.s32 $0x0;
	s28 =	simm.s32 $0x0  }
0x4: {  	s6 =	sand.u32 $0x1, s1;
	s4 =	sshll.u32 s0, $0x1;
	s16 =	smul.u32 $0x280, s0  }
0x5: {  	[smem:$0x7FF] =	sst s3;
	s9 =	smul.u32 $0x50000, s0;
	s18 =	sadd.s32 $0x3DE00, s5  }
0x6: {  	s4 =	sor.u32 s6, s4;
	_ =	strace $0x8000004D;
	s17 =	smul.u32 $0x2800, s6  }
0x7: {  	s8 =	ssub.s32 $0x2, s6;
	s7 =	smul.u32 $0x500, s4;
	s4 =	sadd.s32 $0x15E00, s5  }
0x8: {  	s22 =	sshrl.u32 s8, $0x1;
	s24 =	sshrl.u32 s9, $0x2;
	s14 =	sadd.s32 $0x80, s16  }
0x9: {  	s19 =	sadd.s32 $0x100, s16;
	s29 =	sadd.s32 $0x180, s16;
	s10 =	ssub.s32 s8, s22  }
0xa: {  	s23 =	sadd.s32 s17, s16;
	s15 =	sshll.u32 s14, $0x7;
	s14 =	sadd.s32 s17, s14  }
0xb: {  	s26 =	sadd.s32 s17, s19;
	s19 =	sshll.u32 s19, $0x7;
	s20 =	sshll.u32 s29, $0x7  }
0xc: {  	s21 =	sadd.s32 s7, s5;
	s25 =	sshll.u32 s23, $0x4;
	s7 =	sadd.s32 s24, s2  }
0xd: {  	s9 =	smax.u32 s10, $0x1;
	s22 =	sadd.s32 s15, s2;
	s14 =	sshll.u32 s14, $0x4  }
0xe: {  	s15 =	sshll.u32 s26, $0x4;
	s23 =	sadd.s32 s19, s2;
	s19 =	sadd.s32 s17, s29  }
0xf: {  	s24 =	sadd.s32 s20, s2;
	s20 =	simm.s32 $0x5000;
	s26 =	simm.s32 $0x1  }
0x10: {  	s5 =	sadd.s32 $0xBE00, s21;
	s6 =	sadd.s32 $0x1E00, s21;
	s8 =	sadd.s32 s18, s25  }
0x11: {  	s10 =	sadd.s32 $0x4000, s7;
	s11 =	sadd.s32 $0x8000, s7;
	s12 =	sadd.s32 $0xC000, s7  }
0x12: {  	s13 =	sadd.s32 $0x10000, s7;
	s14 =	sadd.s32 s18, s14;
	s15 =	sadd.s32 s18, s15  }
0x13: {  	s21 =	sadd.s32 $0x200, s16;
	s30 =	sshll.u32 s19, $0x4;
	s19 =	simm.s32 $0x2800  }
0x14: {  	s22 =	sshrl.u32 s22, $0x3;
	s23 =	sshrl.u32 s23, $0x3;
	s24 =	sshrl.u32 s24, $0x3  }
0x15: {  	s17 =	sadd.s32 s17, s21;
	s16 =	sadd.s32 s18, s30;
	s31 =	sshll.u32 s21, $0x7  }
0x16: {  	s21 =	simm.s32 $0x80;
	s17 =	sshll.u32 s17, $0x4;
	s25 =	sadd.s32 s31, s2  }
0x17: {  	v0 =	vimm.f32 $0.0e+00;
	s17 =	sadd.s32 s18, s17;
	s18 =	simm.s32 $0x2;
	s25 =	sshrl.u32 s25, $0x3  }
.LBB2_1:
0x18: {  	[tilespmem:s3], [sflag:$0x2] =	stream.linear.gather [hbm4b:s5+s3], $0x2780, $0x38;
	[tilespmem:$0x1D000] =	vst v63  }
0x19: {  	_ =	swait.ge [sflag:s18], $0x2780  }
0x1a: {  	[sflag:s18] =	ssyncset.done $0x0  }
0x1b: {  	[sflag:s18] =	ssyncadd.s32 $0xFFFFD880  }
0x1c: {  	[tilespmem:s19], [sflag:$0x2] =	stream.linear.gather [hbm4b:s6+s3], $0x2780, $0x38;
	[tilespmem:$0x1D000] =	vst v63  }
0x1d: {  	_ =	swait.ge [sflag:s18], $0x2780  }
0x1e: {  	[sflag:s18] =	ssyncset.done $0x0  }
0x1f: {  	s29 =	simm.s32 $0x0;
	s30 =	simm.s32 $0x200;
	[sflag:s18] =	ssyncadd.s32 $0xFFFFD880  }
.LBB2_2:
0x20: {  	p0 =	sne.s32 s30, $0xFE00;
	[tilespmem:s29+$0x5070] =	vst v0  }
0x21: {  	[tilespmem:s29+$0x5000] =	vst v0  }
0x22: {  	[tilespmem:s29+$0x5010] =	vst v0  }
.Ltmp0:
0x23: {  	[tilespmem:s29+$0x5020] =	vst v0;
	(pc) =	sbr.rel @p0 .LBB2_2-.Ltmp0, $4  }
0x24: {  	[tilespmem:s29+$0x5030] =	vst v0  }
0x25: {  	[tilespmem:s29+$0x5040] =	vst v0  }
0x26: {  	[tilespmem:s29+$0x5050] =	vst v0  }
0x27: {  	[tilespmem:s29+$0x5060] =	vst v0;
	s29 =	sshra.s32 s30, $0x2;
	s30 =	sadd.s32 $0x200, s30  }
0x28: {  	[tilespmem:s29+$0x5070] =	vst v0  }
0x29: {  	[tilespmem:s29+$0x5000] =	vst v0  }
0x2a: {  	[tilespmem:s29+$0x5010] =	vst v0  }
0x2b: {  	[tilespmem:s29+$0x5020] =	vst v0  }
0x2c: {  	[tilespmem:s29+$0x5030] =	vst v0  }
0x2d: {  	[tilespmem:s29+$0x5040] =	vst v0  }
0x2e: {  	[tilespmem:s29+$0x5050] =	vst v0  }
0x2f: {  	[tilespmem:s29+$0x5060] =	vst v0  }
0x30: {  	[spmem:s7] =	stream.linear.scatter [tilespmem:s20], [sflag:$0x2], $0x4000, $0x38;
	[tilespmem:$0x1D000] =	vst v63  }
0x31: {  	_ =	swait.ge [sflag:s18], $0x4000  }
0x32: {  	[sflag:s18] =	ssyncset.done $0x0  }
0x33: {  	[sflag:s18] =	ssyncadd.s32 $0xFFFFC000  }
0x34: {  	[spmem:s10] =	stream.linear.scatter [tilespmem:s20], [sflag:$0x2], $0x4000, $0x38;
	[tilespmem:$0x1D000] =	vst v63  }
0x35: {  	_ =	swait.ge [sflag:s18], $0x4000  }
0x36: {  	[sflag:s18] =	ssyncset.done $0x0  }
0x37: {  	[sflag:s18] =	ssyncadd.s32 $0xFFFFC000  }
0x38: {  	[spmem:s11] =	stream.linear.scatter [tilespmem:s20], [sflag:$0x2], $0x4000, $0x38;
	[tilespmem:$0x1D000] =	vst v63  }
0x39: {  	_ =	swait.ge [sflag:s18], $0x4000  }
0x3a: {  	[sflag:s18] =	ssyncset.done $0x0  }
0x3b: {  	[sflag:s18] =	ssyncadd.s32 $0xFFFFC000  }
0x3c: {  	[spmem:s12] =	stream.linear.scatter [tilespmem:s20], [sflag:$0x2], $0x4000, $0x38;
	[tilespmem:$0x1D000] =	vst v63  }
0x3d: {  	_ =	swait.ge [sflag:s18], $0x4000  }
0x3e: {  	[sflag:s18] =	ssyncset.done $0x0  }
0x3f: {  	[sflag:s18] =	ssyncadd.s32 $0xFFFFC000  }
0x40: {  	[spmem:s13] =	stream.linear.scatter [tilespmem:s20], [sflag:$0x2], $0x4000, $0x38;
	[tilespmem:$0x1D000] =	vst v63  }
0x41: {  	_ =	swait.ge [sflag:s18], $0x4000  }
0x42: {  	[sflag:s18] =	ssyncset.done $0x0  }
0x43: {  	[sflag:s18] =	ssyncadd.s32 $0xFFFFC000  }
0x44: {  	s29 =	simm.s32 $0x0;
	[bflag:$0x0] =	sbarrier.arrive $0xFFFF  }
0x45: {  	[tilespmem:s20], [sflag:$0x1] =	stream.indirect.gather [hbm4b:s4+s21], $0x80, s29, s21, $0xb8;
	[tilespmem:$0x1D000] =	vst v63  }
0x46: {  	_ =	swait.ge [sflag:s26], $0x4000  }
0x47: {  	[sflag:s26] =	ssyncset.done $0x0  }
0x48: {  	s29 =	simm.s32 $0x2800;
	[sflag:s26] =	ssyncadd.s32 $0xFFFFC000  }
0x49: {  	[spmem:s2] =	stream.indirect.scatter.add.f32 [tilespmem:s20], [sflag:$0x2], $0x80, s29, s21, $0xb8;
	[tilespmem:$0x1D000] =	vst v63  }
0x4a: {  	_ =	swait.ge [sflag:s18], $0x4000  }
0x4b: {  	s30 =	simm.s32 $0x400;
	s29 =	simm.s32 $0x200;
	[sflag:s18] =	ssyncset.done $0x0  }
.LBB2_4:
0x4c: {  	s31 =	sshra.s32 s29, $0x2  }
0x4d: {  	[sflag:s18] =	ssyncadd.s32 $0xFFFFC000;
	s29 =	smov.u32 s30;
	s1 =	sadd.s32 $0x200, s30  }
0x4e: {  	[tilespmem:s20], [sflag:$0x1] =	stream.indirect.gather [hbm4b:s4+s21], $0x80, s31, s21, $0xb8;
	[tilespmem:$0x1D000] =	vst v63  }
0x4f: {  	p0 =	sne.s32 s30, $0x9C00;
	_ =	swait.ge [sflag:s26], $0x4000  }
.Ltmp1:
0x50: {  	[sflag:s26] =	ssyncset.done $0x0;
	(pc) =	sbr.rel @p0 .LBB2_4-.Ltmp1, $4  }
0x51: {  	s30 =	sadd.s32 $0x2800, s31;
	[sflag:s26] =	ssyncadd.s32 $0xFFFFC000  }
0x52: {  	[spmem:s2] =	stream.indirect.scatter.add.f32 [tilespmem:s20], [sflag:$0x2], $0x80, s30, s21, $0xb8;
	[tilespmem:$0x1D000] =	vst v63  }
0x53: {  	_ =	swait.ge [sflag:s18], $0x4000  }
0x54: {  	s30 =	smov.u32 s1;
	[sflag:s18] =	ssyncset.done $0x0  }
0x55: {  	s1 =	sshra.s32 s29, $0x2;
	[sflag:s18] =	ssyncadd.s32 $0xFFFFC000  }
0x56: {  	[tilespmem:s20], [sflag:$0x1] =	stream.indirect.gather [hbm4b:s4+s21], $0x80, s1, s21, $0xb8;
	[tilespmem:$0x1D000] =	vst v63  }
0x57: {  	_ =	swait.ge [sflag:s26], $0x4000  }
0x58: {  	[sflag:s26] =	ssyncset.done $0x0  }
0x59: {  	s1 =	sadd.s32 $0x2800, s1;
	[sflag:s26] =	ssyncadd.s32 $0xFFFFC000  }
0x5a: {  	[spmem:s2] =	stream.indirect.scatter.add.f32 [tilespmem:s20], [sflag:$0x2], $0x80, s1, s21, $0xb8;
	[tilespmem:$0x1D000] =	vst v63  }
0x5b: {  	_ =	swait.ge [sflag:s18], $0x4000  }
0x5c: {  	[sflag:s18] =	ssyncset.done $0x0  }
0x5d: {  	s30 =	sshll.u32 s0, $0x6;
	[sflag:s18] =	ssyncadd.s32 $0xFFFFC000  }
0x5e: {  	s31 =	sshrl.u32 s7, $0x3;
	s1 =	sor.u32 $0x1C02, s30;
	[bflag:$0x0] =	sbarrier.arrive $0xFFFF  }
0x5f: {  	[hbm:s8], [sflag:s1] =	dma.local [spmem:s31], $0x800  }
0x60: {  	_ =	swait.ge [sflag:s18], $0x800  }
0x61: {  	[sflag:s18] =	ssyncset.done $0x0  }
0x62: {  	[sflag:s18] =	ssyncadd.s32 $0xFFFFF800  }
0x63: {  	[hbm:s14], [sflag:s1] =	dma.local [spmem:s22], $0x800  }
0x64: {  	_ =	swait.ge [sflag:s18], $0x800  }
0x65: {  	[sflag:s18] =	ssyncset.done $0x0  }
0x66: {  	[sflag:s18] =	ssyncadd.s32 $0xFFFFF800  }
0x67: {  	[hbm:s15], [sflag:s1] =	dma.local [spmem:s23], $0x800  }
0x68: {  	_ =	swait.ge [sflag:s18], $0x800  }
0x69: {  	[sflag:s18] =	ssyncset.done $0x0  }
0x6a: {  	[sflag:s18] =	ssyncadd.s32 $0xFFFFF800  }
0x6b: {  	[hbm:s16], [sflag:s1] =	dma.local [spmem:s24], $0x800  }
0x6c: {  	s28 =	sadd.s32 $0x1, s28;
	_ =	swait.ge [sflag:s18], $0x800  }
0x6d: {  	p0 =	sne.s32 s28, s9;
	[sflag:s18] =	ssyncset.done $0x0  }
.Ltmp2:
0x6e: {  	[sflag:s18] =	ssyncadd.s32 $0xFFFFF800;
	(pc) =	sbr.rel @p0 .LBB2_1-.Ltmp2, $4  }
0x6f: {  	[hbm:s17], [sflag:s1] =	dma.local [spmem:s25], $0x800  }
0x70: {  	_ =	swait.ge [sflag:s18], $0x800  }
0x71: {  	[sflag:s18] =	ssyncset.done $0x0  }
0x72: {  	[sflag:s18] =	ssyncadd.s32 $0xFFFFF800  }
0x73: {  	_ =	sfence.sel $0x180000  }
0x74: {  	[bflag:$0x0] =	sbarrier.arrive $0xFFFF  }
0x75: {  	_ =	strace $0x9000004D  }
0x76: {  	[bflag:$0x2] =	sbarrier.arrive $0xFFFF  }
0x77: {  	p0 =	sne.s32 s0, $0x0;
	s0 =	rddreg [dreg:$0x2]  }
0x78: {  	s0 =	sadd.s32 @!p0 $0x100000, s0  }
0x79: {  	[sflag:s0] =	ssyncadd.tile.s32 @!p0 $0x1;
	_ =	shalt  }
.Lfunc_end2:
_tile_overlayer_lowered:
.L_overlay_start_2:
0x7a: {  	(tag) =	ssettag $0x2  }
0x7b: {  	s0 =	rddreg [dreg:$0x0];
	s2 =	stileid.u32  }
0x7c: {  	s1 =	rddreg [dreg:$0x1];
	p0 =	sne.s32 s2, $0x0  }
0x7d: {  	s3 =	rddreg [dreg:$0x2];
	[bflag:$0x3] =	sbarrier.arrive $0xFFFF;
	s2 =	simm.s32 @!p0 $0x1C02  }
0x7e: {  	[timem:s3], [sflag:s2] =	dma.local @!p0 [hbm:s0], s1  }
0x7f: {  	s0 =	simm.s32 @!p0 $0x2  }
0x80: {  	_ =	swait.ge @!p0 [sflag:s0], s1  }
0x81: {  	s1 =	ssub.s32 @!p0 $0x0, s1;
	[sflag:s0] =	ssyncset.done @!p0 $0x0  }
0x82: {  	[sflag:s0] =	ssyncadd.s32 @!p0 s1  }
0x83: {  	[bflag:$0x3] =	sbarrier.arrive $0xFFFF  }
0x84: {  	_ =	shalt  }

// kernel: kernel.9.cloned.1.call-start
scs
__scs_entry_jumppad:
0x0: {  	(pc) =	sbr.rel $0x88, $3  }
0x1: {  	(tag) =	ssettag $0x0;
	lr =	simm.s32 $0x1  }
0x2: {  	[smem:$0x3F99] =	sst lr;
	_ =	strace $0xD0000000  }
0x3: {  	_ = 	snop  }
0x4: {  	_ = 	snop  }
0x5: {  	_ = 	snop  }
0x6: {  	_ = 	snop  }
0x7: {  	_ = 	snop  }
__scs_overlays_trampoline_lowered:
0x8: {  	[smem:$0x3FA8] =	sst s0  }
0x9: {  	[smem:$0x3FA9] =	sst s1  }
0xa: {  	[smem:$0x3FAA] =	sst s2  }
0xb: {  	[smem:$0x3FAB] =	sst s3  }
0xc: {  	[smem:$0x3FAC] =	sst s4  }
0xd: {  	[smem:$0x3FAD] =	sst s5  }
0xe: {  	[smem:$0x3FAE] =	sst s6  }
0xf: {  	[smem:$0x3FAF] =	sst s7  }
0x10: {  	[smem:$0x3FB0] =	sst s8  }
0x11: {  	[smem:$0x3FB1] =	sst s9;
	s0 =	simm.s32 @!p0 $0x0  }
0x12: {  	s1 =	sld [smem:$0x3F97];
	s0 =	simm.s32 @p0 $0x1  }
0x13: {  	[smem:$0x3FB2] =	sst s0;
	s0 =	simm.s32 @!p1 $0x0  }
0x14: {  	s2 =	sld [smem:$0x3F96];
	s0 =	simm.s32 @p1 $0x1  }
0x15: {  	[smem:$0x3FB3] =	sst s0;
	s0 =	simm.s32 @!p2 $0x0  }
0x16: {  	s3 =	sld [smem:$0x3FDB];
	s0 =	simm.s32 @p2 $0x1  }
0x17: {  	s4 =	simm.s32 $0x1BF5;
	[smem:$0x3FB5] =	sst s0  }
0x18: {  	s0 =	sld [smem:$0x3F98];
	_ =	swait.ge [sflag:s4], $0x0  }
0x19: {  	s7 =	sld [smem:$0x3F99]  }
0x1a: {  	s8 =	sadd.s32 $0xFFFFE003, lr  }
0x1b: {  	s9 =	sadd.s32 $0xFFFFFEF7, lr;
	s5 =	simm.s32 $0xFFFFFFFF;
	p2 =	slt.u32 s8, $0xFFFFF086  }
0x1c: {  	p1 =	slt.u32 s9, $0xF7A;
	s5 =	simm.s32 @!p2 $0x0  }
0x1d: {  	s5 =	simm.s32 @p1 $0x1;
	p0 =	seq.s32 s7, s2  }
0x1e: {  	s7 =	smul.u32 @!p0 $0xF7A, s2;
	p2 =	seq.s32 @!p0 s5, $0x0  }
0x1f: {  	s9 =	smul.u32 $0xF7A, s1;
	s8 =	simm.s32 @!p0 $0x1BF5;
	p2 =	por !p2, p0  }
0x20: {  	[sflag:s8] =	ssyncset.s32 @!p0 $0xFFFFF086;
	s6 =	sadd.s32 @!p0 s3, s7;
	s7 =	simm.s32 @!p0 $0x108  }
0x21: {  	s3 =	sadd.s32 s3, s9;
	s6 =	sadd.s32 @!p0 $0x88, s6;
	s7 =	simm.s32 @p2 $0x1082  }
0x22: {  	[simem:s7], [sflag:s8] =	dma.local @!p0 [hbm:s6], $0xF7A  }
0x23: {  	s9 =	sor.u32 $0xD0000000, s2;
	s6 =	simm.s32 $0x108;
	_ =	swait.ge @!p0 [sflag:s8], $0x0  }
0x24: {  	s3 =	sadd.s32 $0x88, s3;
	s6 =	simm.s32 @!p1 $0x1082;
	[sflag:s4] =	ssyncset.s32 $0xFFFFF086  }
0x25: {  	[simem:s6], [sflag:s4] =	dma.local [hbm:s3], $0xF7A  }
0x26: {  	[smem:$0x3F99] =	sst s1;
	(tag) =	ssettag s2;
	_ =	strace s9  }
0x27: {  	s1 =	sld [smem:$0x3FA9]  }
0x28: {  	s2 =	sld [smem:$0x3FAA]  }
0x29: {  	s4 =	sld [smem:$0x3FAC]  }
0x2a: {  	p0 =	seq.s32 s5, $0x0;
	s5 =	sld [smem:$0x3FAD]  }
0x2b: {  	s6 =	sld [smem:$0x3FAE]  }
0x2c: {  	s7 =	sld [smem:$0x3FAF]  }
0x2d: {  	s3 =	simm.s32 $0x108;
	s8 =	sld [smem:$0x3FB0]  }
0x2e: {  	s3 =	simm.s32 @!p0 $0x1082;
	s9 =	sld [smem:$0x3FB1]  }
0x2f: {  	lr =	sadd.s32 s0, s3;
	s0 =	sld [smem:$0x3FA8]  }
0x30: {  	s3 =	sld [smem:$0x3FAB]  }
0x31: {  	[smem:$0x3FB4] =	sst s10  }
0x32: {  	s10 =	sld [smem:$0x3FB2];
	_ =	sdelay $0x3  }
0x33: {  	p0 =	seq.s32 s10, $0x1;
	s10 =	sld [smem:$0x3FB4];
	_ =	sdelay $0x3  }
0x34: {  	[smem:$0x3FB4] =	sst s10  }
0x35: {  	s10 =	sld [smem:$0x3FB3];
	_ =	sdelay $0x3  }
0x36: {  	p1 =	seq.s32 s10, $0x1;
	s10 =	sld [smem:$0x3FB4];
	_ =	sdelay $0x3  }
0x37: {  	[smem:$0x3FB4] =	sst s10  }
0x38: {  	s10 =	sld [smem:$0x3FB5]  }
0x39: {  	_ = 	snop;
	(pc) =	sbr.ind lr, $3  }
0x3a: {  	_ = 	snop  }
0x3b: {  	_ = 	snop  }
0x3c: {  	p2 =	seq.s32 s10, $0x1;
	s10 =	sld [smem:$0x3FB4]  }
0x3d: {  	_ =	shalt  }
0x3e: {  	_ =	shalt  }
0x3f: {  	_ =	shalt  }
0x40: {  	_ =	shalt  }
0x41: {  	_ =	shalt  }
0x42: {  	_ =	shalt  }
0x43: {  	_ =	shalt  }
0x44: {  	_ =	shalt  }
0x45: {  	_ =	shalt  }
0x46: {  	_ =	shalt  }
0x47: {  	_ =	shalt  }
0x48: {  	_ =	shalt  }
0x49: {  	_ =	shalt  }
0x4a: {  	_ =	shalt  }
0x4b: {  	_ =	shalt  }
0x4c: {  	_ =	shalt  }
0x4d: {  	_ =	shalt  }
0x4e: {  	_ =	shalt  }
0x4f: {  	_ =	shalt  }
0x50: {  	_ =	shalt  }
0x51: {  	_ =	shalt  }
0x52: {  	_ =	shalt  }
0x53: {  	_ =	shalt  }
0x54: {  	_ =	shalt  }
0x55: {  	_ =	shalt  }
0x56: {  	_ =	shalt  }
0x57: {  	_ =	shalt  }
0x58: {  	_ =	shalt  }
0x59: {  	_ =	shalt  }
0x5a: {  	_ =	shalt  }
0x5b: {  	_ =	shalt  }
0x5c: {  	_ =	shalt  }
0x5d: {  	_ =	shalt  }
0x5e: {  	_ =	shalt  }
0x5f: {  	_ =	shalt  }
0x60: {  	_ =	shalt  }
0x61: {  	_ =	shalt  }
0x62: {  	_ =	shalt  }
0x63: {  	_ =	shalt  }
0x64: {  	_ =	shalt  }
0x65: {  	_ =	shalt  }
0x66: {  	_ =	shalt  }
0x67: {  	_ =	shalt  }
0x68: {  	_ =	shalt  }
0x69: {  	_ =	shalt  }
0x6a: {  	_ =	shalt  }
0x6b: {  	_ =	shalt  }
0x6c: {  	_ =	shalt  }
0x6d: {  	_ =	shalt  }
0x6e: {  	_ =	shalt  }
0x6f: {  	_ =	shalt  }
0x70: {  	_ =	shalt  }
0x71: {  	_ =	shalt  }
0x72: {  	_ =	shalt  }
0x73: {  	_ =	shalt  }
0x74: {  	_ =	shalt  }
0x75: {  	_ =	shalt  }
0x76: {  	_ =	shalt  }
0x77: {  	_ =	shalt  }
0x78: {  	_ =	shalt  }
0x79: {  	_ =	shalt  }
0x7a: {  	_ =	shalt  }
0x7b: {  	_ =	shalt  }
0x7c: {  	_ =	shalt  }
0x7d: {  	_ =	shalt  }
0x7e: {  	_ =	shalt  }
0x7f: {  	_ =	shalt  }
0x80: {  	_ =	shalt  }
0x81: {  	_ =	shalt  }
0x82: {  	_ =	shalt  }
0x83: {  	_ =	shalt  }
0x84: {  	_ =	shalt  }
0x85: {  	_ =	shalt  }
0x86: {  	_ =	shalt  }
0x87: {  	_ =	shalt  }
.Lfunc_end0:
.L_simem_size_0:
called_computation_lowered:
.L_overlay_start_0:
0x88: {  	s2 =	sld [smem:$0x3FD9]  }
0x89: {  	s3 =	sld [smem:$0x3FFE];
	_ =	sdelay $0x1  }
0x8a: {  	s1 =	srdreg.scid  }
0x8b: {  	s0 =	sand.u32 $0x1, s1  }
0x8c: {  	s16 =	sshll.u32 s0, $0xA;
	s2 =	sadd.s32 s3, s2  }
0x8d: {  	s2 =	sadd.s32 s2, s16  }
0x8e: {  	[smem:$0x3FC0] =	sst s2  }
0x8f: {  	_ = 	snop  }
0x90: {  	(tm) =	ssettm $0x1  }
0x91: {  	s17 =	sld [smem:$0x3FFB];
	_ =	sdelay $0x3  }
0x92: {  	_ =	strace s17  }
0x93: {  	s2 =	sld [smem:$0x3FFC];
	_ =	sdelay $0x3  }
0x94: {  	_ =	strace s2  }
0x95: {  	s2 =	sld [smem:$0x3FFD];
	_ =	sdelay $0x3  }
0x96: {  	_ =	strace s2  }
0x97: {  	_ =	strace $0x8FFFFFFF  }
0x98: {  	s18 =	sld [smem:$0x3FDB];
	_ =	sdelay $0x1  }
0x99: {  	s19 =	simm.s32 $_scs_section_size  }
0x9a: {  	s4 =	simm.s32 $_size__tile_overlayer_lowered;
	s5 =	simm.s32 $_tile_overlayer_lowered  }
0x9b: {  	s22 =	simm.s32 $0x1BFF;
	s21 =	sshll.u32 s5, $0x1;
	s2 =	sadd.s32 s19, s18  }
0x9c: {  	s6 =	simm.s32 $0x0;
	s20 =	sshll.u32 s4, $0x1;
	s4 =	sadd.s32 s21, s2  }
0x9d: {  	[timem:s6], [sflag:s22] =	dma.local [hbm:s4], s20  }
0x9e: {  	_ =	swait.ge [sflag:s22], s20  }
0x9f: {  	s3 =	ssub.s32 $0x0, s20;
	[sflag:s22] =	ssyncset.done $0x0  }
0xa0: {  	[sflag:s22] =	ssyncadd.s32 s3;
	_ =	sdelay $0x1  }
0xa1: {  	s23 =	simm.s32 $0x1B8B  }
0xa2: {  	_ =	swait.ge [sflag:s23], $0x1  }
0xa3: {  	[sflag:s23] =	ssyncset.done $0x0  }
0xa4: {  	s25 =	simm.s32 $0x1B8E;
	s24 =	sld [smem:$0x3FFE];
	[sflag:s23] =	ssyncadd.s32 $0xFFFFFFFF  }
0xa5: {  	s26 =	simm.s32 $execute0_lowered;
	[smem:$0x3FD2] =	sst s25  }
0xa6: {  	s4 =	sshll.u32 s26, $0x1;
	_ =	strace $0x80000046;
	[dreg:$0x1] =	wrdreg $0xFFFFFFFF  }
0xa7: {  	s28 =	simm.s32 $_size_execute0_lowered;
	s2 =	sadd.s32 s2, s4;
	[dreg:$0x0] =	wrdreg $0x0  }
0xa8: {  	s4 =	sshll.u32 s28, $0x1;
	[dreg:$0x2] =	wrdreg s2  }
0xa9: {  	[dreg:$0x3] =	wrdreg s4  }
0xaa: {  	[dreg:$0x4] =	wrdreg $0xC0  }
0xab: {  	_ =	task [dreg:s6], $0x5FFFF  }
0xac: {  	[dreg:$0x1] =	wrdreg $0xFFFFFFFF  }
0xad: {  	[dreg:$0x0] =	wrdreg $0x60  }
0xae: {  	[dreg:$0x2] =	wrdreg s24  }
0xaf: {  	[dreg:$0x3] =	wrdreg $0x9  }
0xb0: {  	_ =	task.clear_ibuf [dreg:s6], $0x4FFFF;
	_ =	strace $0x90000046  }
0xb1: {  	s29 =	simm.s32 $0x9;
	_ =	strace $0x80000048  }
0xb2: {  	_ =	swait.ge [sflag:s29], $0x1  }
0xb3: {  	[sflag:s29] =	ssyncadd.s32 $0xFFFFFFFF  }
0xb4: {  	_ =	strace $0x90000048  }
0xb5: {  	_ =	sfence  }
0xb6: {  	s30 =	sld [smem:$0x0];
	_ =	sdelay $0x2  }
0xb7: {  	s31 =	sshll.u32 s1, $0xD;
	s1 =	sshrl.u32 s1, $0x2  }
0xb8: {  	s3 =	sand.u32 $0x4000, s31;
	s1 =	sadd.s32 s1, s30  }
0xb9: {  	s0 =	sor.u32 s3, s0;
	s1 =	sshll.u32 s1, $0x11  }
0xba: {  	s0 =	sor.u32 s1, s0  }
0xbb: {  	s0 =	sadd.s32 $0x8F2B, s0  }
0xbc: {  	[sflag:s0] =	ssyncadd.remote.s32 $0x1  }
0xbd: {  	_ =	sfence.sel $0xFFFF  }
0xbe: {  	[dreg:$0x0] =	wrdreg $0xFFFFFFFF;
	(pc) =	sbr.abs _section_cstart, $3  }
0xbf: {  	[dreg:$0x1] =	wrdreg $0xFFFFFFFF  }
0xc0: {  	_ =	task.clear_ibuf [dreg:s6], $0x2FFFF;
	_ =	strace $0x9FFFFFFF  }
0xc1: {  	(tm) =	ssettm $0x7FFFFFFF  }
tec
execute0_lowered:
.L_overlay_start_1:
0x0: {  	(tag) =	ssettag $0x1  }
0x1: {  	s1 =	srdreg.scid  }
0x2: {  	s0 =	stileid.u32;
	s3 =	rddreg [dreg:$0x0];
	s8 =	simm.s32 $0x1  }
0x3: {  	s9 =	simm.s32 $0x2800;
	s10 =	simm.s32 $0x5000;
	s11 =	simm.s32 $0x7800  }
0x4: {  	s12 =	simm.s32 $0x80;
	s13 =	simm.s32 $0x400;
	s14 =	simm.s32 $0x0  }
0x5: {  	s4 =	sand.u32 $0x1, s1;
	s2 =	sshll.u32 s0, $0x1;
	s1 =	rddreg [dreg:$0x1]  }
0x6: {  	s6 =	sshrl.u32 s0, $0x1;
	s5 =	sor.u32 s4, s2;
	s2 =	simm.s32 $0x0  }
0x7: {  	s6 =	smul.u32 $0x14000, s6;
	s4 =	ssub.s32 $0x2, s4;
	s7 =	sshll.u32 s5, $0x8  }
0x8: {  	[smem:$0x7FF] =	sst s2;
	s5 =	smul.u32 $0x500, s5;
	s7 =	sand.u32 $0x300, s7  }
0x9: {  	s31 =	sshrl.u32 s4, $0x1;
	_ =	strace $0x80000047;
	s6 =	sor.u32 s6, s7  }
0xa: {  	s5 =	sadd.s32 s5, s3;
	s7 =	ssub.s32 s4, s31;
	s6 =	sshrl.u32 s6, $0x3  }
0xb: {  	s4 =	sadd.s32 $0x1E00, s5;
	s7 =	smax.u32 s7, $0x1;
	s6 =	sadd.s32 s6, s3  }
0xc: {  	v0 =	vimm.f32 $0.0e+00;
	v1 =	vimm.f32 $1.000000000e+00;
	s3 =	sadd.s32 $0xBE00, s5;
	s5 =	sadd.s32 $0x15E00, s6;
	s6 =	sadd.s32 $0x15E10, s6  }
.LBB2_1:
0xd: {  	[tilespmem:s2], [sflag:$0x1] =	stream.linear.gather [hbm4b:s3+s2], $0x2780, $0x38;
	[tilespmem:$0xA000] =	vst v63  }
0xe: {  	_ =	swait.ge [sflag:s8], $0x2780  }
0xf: {  	[sflag:s8] =	ssyncset.done $0x0  }
0x10: {  	[sflag:s8] =	ssyncadd.s32 $0xFFFFD880  }
0x11: {  	[tilespmem:s9], [sflag:$0x1] =	stream.linear.gather [hbm4b:s4+s2], $0x2780, $0x38;
	[tilespmem:$0xA000] =	vst v63  }
0x12: {  	_ =	swait.ge [sflag:s8], $0x2780  }
0x13: {  	[sflag:s8] =	ssyncset.done $0x0  }
0x14: {  	s15 =	simm.s32 $0x0;
	[sflag:s8] =	ssyncadd.s32 $0xFFFFD880  }
.LBB2_2:
0x15: {  	p0 =	sne.s32 s15, $0x9FC0  }
.Ltmp0:
0x16: {  	_ = 	snop;
	(pc) =	sbr.rel @p0 .LBB2_2-.Ltmp0, $4  }
0x17: {  	_ = 	snop  }
0x18: {  	s16 =	sshra.s32 s15, $0x2  }
0x19: {  	[tilespmem:s16+$0x5000] =	vst v0  }
0x1a: {  	s15 =	sadd.s32 $0x40, s15;
	[tilespmem:s16+$0x7800] =	vst v0  }
0x1b: {  	s15 =	simm.s32 $0x0  }
.LBB2_4:
0x1c: {  	s16 =	sshra.s32 s15, $0x2  }
0x1d: {  	v2 =	vld [tilespmem:s16+$0x0]  }
0x1e: {  	v3 =	vld [tilespmem:s16+$0x2800];
	_ =	sdelay $0x6  }
0x1f: {  	[tilespmem:v2+s10+$0x0] =	vst.idx.add.f32.msk $0xffff, v1  }
0x20: {  	[tilespmem:v3+s11+$0x0] =	vst.idx.add.f32.msk $0xffff, v1  }
0x21: {  	v2 =	vld [tilespmem:s16+$0x10]  }
0x22: {  	v3 =	vld [tilespmem:s16+$0x2810];
	_ =	sdelay $0x6  }
0x23: {  	[tilespmem:v2+s10+$0x0] =	vst.idx.add.f32.msk $0xffff, v1  }
0x24: {  	[tilespmem:v3+s11+$0x0] =	vst.idx.add.f32.msk $0xffff, v1  }
0x25: {  	v2 =	vld [tilespmem:s16+$0x20]  }
0x26: {  	v3 =	vld [tilespmem:s16+$0x2820];
	_ =	sdelay $0x6  }
0x27: {  	[tilespmem:v2+s10+$0x0] =	vst.idx.add.f32.msk $0xffff, v1  }
0x28: {  	[tilespmem:v3+s11+$0x0] =	vst.idx.add.f32.msk $0xffff, v1  }
0x29: {  	v2 =	vld [tilespmem:s16+$0x30]  }
0x2a: {  	v3 =	vld [tilespmem:s16+$0x2830];
	_ =	sdelay $0x6  }
0x2b: {  	[tilespmem:v2+s10+$0x0] =	vst.idx.add.f32.msk $0xffff, v1  }
0x2c: {  	[tilespmem:v3+s11+$0x0] =	vst.idx.add.f32.msk $0xffff, v1  }
0x2d: {  	v2 =	vld [tilespmem:s16+$0x40]  }
0x2e: {  	v3 =	vld [tilespmem:s16+$0x2840];
	_ =	sdelay $0x6  }
0x2f: {  	[tilespmem:v2+s10+$0x0] =	vst.idx.add.f32.msk $0xffff, v1  }
0x30: {  	[tilespmem:v3+s11+$0x0] =	vst.idx.add.f32.msk $0xffff, v1  }
0x31: {  	v2 =	vld [tilespmem:s16+$0x50]  }
0x32: {  	v3 =	vld [tilespmem:s16+$0x2850];
	_ =	sdelay $0x6  }
0x33: {  	[tilespmem:v2+s10+$0x0] =	vst.idx.add.f32.msk $0xffff, v1  }
0x34: {  	[tilespmem:v3+s11+$0x0] =	vst.idx.add.f32.msk $0xffff, v1  }
0x35: {  	v2 =	vld [tilespmem:s16+$0x60]  }
0x36: {  	v3 =	vld [tilespmem:s16+$0x2860];
	_ =	sdelay $0x6  }
0x37: {  	[tilespmem:v2+s10+$0x0] =	vst.idx.add.f32.msk $0xffff, v1  }
0x38: {  	[tilespmem:v3+s11+$0x0] =	vst.idx.add.f32.msk $0xffff, v1  }
0x39: {  	v2 =	vld [tilespmem:s16+$0x70]  }
0x3a: {  	v3 =	vld [tilespmem:s16+$0x2870];
	_ =	sdelay $0x2  }
0x3b: {  	p0 =	sne.s32 s15, $0x9C00  }
.Ltmp1:
0x3c: {  	_ = 	snop;
	(pc) =	sbr.rel @p0 .LBB2_4-.Ltmp1, $3  }
0x3d: {  	_ =	sdelay $0x1  }
0x3e: {  	[tilespmem:v2+s10+$0x0] =	vst.idx.add.f32.msk $0xffff, v1  }
0x3f: {  	s15 =	sadd.s32 $0x200, s15;
	[tilespmem:v3+s11+$0x0] =	vst.idx.add.f32.msk $0xffff, v1  }
0x40: {  	[hbm4b:s5+s12] =	stream.strided.scatter [tilespmem:s10], [sflag:$0x1], $0x2800, s13, s12, $0x38;
	[tilespmem:$0xA000] =	vst v63  }
0x41: {  	s14 =	sadd.s32 $0x1, s14;
	_ =	swait.ge [sflag:s8], $0x2800  }
0x42: {  	p0 =	sne.s32 s14, s7;
	[sflag:s8] =	ssyncset.done $0x0  }
.Ltmp2:
0x43: {  	[sflag:s8] =	ssyncadd.s32 $0xFFFFD800;
	(pc) =	sbr.rel @p0 .LBB2_1-.Ltmp2, $4  }
0x44: {  	[hbm4b:s6+s12] =	stream.strided.scatter [tilespmem:s11], [sflag:$0x1], $0x2800, s13, s12, $0x38;
	[tilespmem:$0xA000] =	vst v63  }
0x45: {  	_ =	swait.ge [sflag:s8], $0x2800  }
0x46: {  	[sflag:s8] =	ssyncset.done $0x0  }
0x47: {  	[sflag:s8] =	ssyncadd.s32 $0xFFFFD800  }
0x48: {  	_ =	sfence.sel $0x180000  }
0x49: {  	[bflag:$0x0] =	sbarrier.arrive $0xFFFF  }
0x4a: {  	p0 =	sne.s32 s0, $0x0;
	_ =	strace $0x90000047  }
0x4b: {  	s0 =	sadd.s32 @!p0 $0x100000, s1;
	[bflag:$0x2] =	sbarrier.arrive $0xFFFF  }
0x4c: {  	[sflag:s0] =	ssyncadd.tile.s32 @!p0 $0x1;
	_ =	shalt  }
.Lfunc_end2:
_tile_overlayer_lowered:
.L_overlay_start_2:
0x4d: {  	(tag) =	ssettag $0x2  }
0x4e: {  	s0 =	rddreg [dreg:$0x0];
	s2 =	stileid.u32  }
0x4f: {  	s1 =	rddreg [dreg:$0x1];
	p0 =	sne.s32 s2, $0x0  }
0x50: {  	s3 =	rddreg [dreg:$0x2];
	[bflag:$0x3] =	sbarrier.arrive $0xFFFF;
	s2 =	simm.s32 @!p0 $0x1C01  }
0x51: {  	[timem:s3], [sflag:s2] =	dma.local @!p0 [hbm:s0], s1  }
0x52: {  	s0 =	simm.s32 @!p0 $0x1  }
0x53: {  	_ =	swait.ge @!p0 [sflag:s0], s1  }
0x54: {  	s1 =	ssub.s32 @!p0 $0x0, s1;
	[sflag:s0] =	ssyncset.done @!p0 $0x0  }
0x55: {  	[sflag:s0] =	ssyncadd.s32 @!p0 s1  }
0x56: {  	[bflag:$0x3] =	sbarrier.arrive $0xFFFF  }
0x57: {  	_ =	shalt  }

</sc_bundles>
